<compile_context>
chip_gen: v7x
topology: tpu7x:2x2x1
jax: 0.10.2.dev20260603
libtpu: 0.0.44.dev20260713+nightly
codegen_flags: <defaults>
</compile_context>

<pallas_src>
import functools

import jax
import jax.numpy as jnp
from jax import lax
from jax.experimental import pallas as pl
from jax.experimental.pallas import tpu as pltpu
from jax.experimental.pallas import tpu_sc as plsc

N_EMBD = 1024
B_TOTAL = 16384 * 200
NC, NS = 2, 16
NW = NC * NS
B_PER_W = B_TOTAL // NW
CHUNK = 16
NBUF = 4
N_CHUNKS = B_PER_W // CHUNK
NG = N_CHUNKS // NBUF
STAGE = 10240
CHUNKS_PER_STAGE = STAGE // CHUNK


def _sc_lookup(styles_flat, table_rep):
    mesh = plsc.VectorSubcoreMesh(core_axis_name="c", subcore_axis_name="s")

    @functools.partial(
        pl.kernel,
        mesh=mesh,
        out_type=jax.ShapeDtypeStruct((B_TOTAL, N_EMBD), jnp.float32),
        scratch_types=[
            pltpu.VMEM((STAGE,), jnp.int32),
            pltpu.VMEM((NBUF, CHUNK, N_EMBD), jnp.float32),
            pltpu.SemaphoreType.DMA((NBUF,)),
            pltpu.SemaphoreType.DMA((NBUF,)),
        ],
    )
    def k(idx_hbm, table_hbm, out_hbm, idx_s, rows_v, gsem, ssem):
        wid = lax.axis_index("s") * NC + lax.axis_index("c")
        base = wid * B_PER_W
        off_splat = jnp.full((16,), 2 * wid, jnp.int32)

        def stage_fill(start):
            pltpu.sync_copy(idx_hbm.at[pl.ds(start, STAGE)], idx_s)

            def fix(j, c):
                v = idx_s[pl.ds(j * 16, 16)]
                idx_s[pl.ds(j * 16, 16)] = v + off_splat
                return c

            lax.fori_loop(0, STAGE // 16, fix, 0)

        stage_fill(base)
        pltpu.async_copy(
            table_hbm.at[idx_s.at[pl.ds(0, CHUNK)]], rows_v.at[0], gsem.at[0])

        def group(g, carry):
            for b in range(NBUF):
                nb = (b + 1) % NBUF
                i = g * NBUF + b
                pltpu.make_async_copy(
                    table_hbm.at[idx_s.at[pl.ds(0, CHUNK)]],
                    rows_v.at[b], gsem.at[b]).wait()
                @pl.when(lax.rem(i + 1, CHUNKS_PER_STAGE) == 0)
                def _():
                    stage_fill(base + (i + 1) * CHUNK)
                @pl.when(i + 1 < N_CHUNKS)
                def _():
                    @pl.when(i + 1 >= NBUF)
                    def _():
                        pltpu.make_async_copy(
                            rows_v.at[nb], out_hbm.at[pl.ds(0, CHUNK)],
                            ssem.at[nb]).wait()
                    loc = lax.rem((i + 1) * CHUNK, STAGE)
                    pltpu.async_copy(
                        table_hbm.at[idx_s.at[pl.ds(loc, CHUNK)]],
                        rows_v.at[nb], gsem.at[nb])
                pltpu.async_copy(
                    rows_v.at[b], out_hbm.at[pl.ds(base + i * CHUNK, CHUNK)],
                    ssem.at[b])
            return carry

        lax.fori_loop(0, NG, group, 0)

        for b in range(NBUF):
            pltpu.make_async_copy(
                rows_v.at[b], out_hbm.at[pl.ds(0, CHUNK)], ssem.at[b]).wait()

    return k(styles_flat, table_rep)


def kernel(styles, table):
    flat = styles.reshape(-1)
    table_rep = jnp.tile(table, (NW, 1))
    out = _sc_lookup(flat, table_rep)
    return out.reshape(styles.shape + (N_EMBD,))

# --- scband reference (transcript-rebuilt; emitter-appended) ---
"""Pipeline reference for scband-my-model-33603824124462 (READ-ONLY COPY).

The authoritative reference and input builder live on the scoring server;
editing this copy changes nothing except your own understanding.
"""

import jax, jax.numpy as jnp
import numpy as np

N_EMBD = 1024
VOCAB = 2
BATCH = 16384
HIST = 200

def setup_inputs(seed: int = 0) -> dict:
    key = jax.random.key(seed)
    k_idx, k_tab = jax.random.split(key)
    styles = jax.random.randint(k_idx, (BATCH, HIST), 0, VOCAB, dtype=jnp.int64 if jax.config.jax_enable_x64 else jnp.int32).astype(jnp.int32)
    # Embedding table: Keras Embedding default init is uniform(-0.05, 0.05)
    table = jax.random.uniform(k_tab, (VOCAB, N_EMBD), dtype=jnp.float32, minval=-0.05, maxval=0.05)
    return {"styles": styles, "table": table}

def reference(styles, table):
    # tf.keras.layers.Embedding -> gather rows of the table
    style_embeddings = jnp.take(table, styles, axis=0)
    return style_embeddings

if __name__ == "__main__":
    import jax
    _d = setup_inputs()
    print(jax.jit(kernel)(*tuple(_d.values())))

</pallas_src>

<mosaic_0001>
#map = affine_map<(d0, d1) -> (0)>
#map1 = affine_map<(d0, d1) -> (0, 0)>
module attributes {stable_mosaic.version = 14 : i64} {
  func.func @k(%arg0: i32, %arg1: i32, %arg2: memref<3276800xi32, #tpu.memory_space<hbm>>, %arg3: memref<64x1024xf32, #tpu.memory_space<hbm>>, %arg4: memref<3276800x1024xf32, #tpu.memory_space<hbm>>, %arg5: memref<10240xi32, #tpu.memory_space<vmem>>, %arg6: memref<4x16x1024xf32, #tpu.memory_space<vmem>>, %arg7: memref<4x!tpu.dma_semaphore, #tpu.memory_space<semaphore_mem>>, %arg8: memref<4x!tpu.dma_semaphore, #tpu.memory_space<semaphore_mem>>) attributes {dimension_semantics = [#tpu.dimension_semantics<core_parallel>, #tpu.dimension_semantics<subcore_parallel>], iteration_bounds = array<i64: 2, 16>, scalar_prefetch = 0 : i64, scratch_operands = 4 : i64, tpu.core_type = #tpu.core_type<sc_vector_subcore>, window_params = [{transform_indices = #map}, {transform_indices = #map1}, {transform_indices = #map1}]} {
    %mul3A = arith.constant 2 : i32
    %mul3A_0 = arith.muli %arg1, %mul3A : i32
    %add3A = arith.addi %mul3A_0, %arg0 : i32
    %mul3A_1 = arith.constant 102400 : i32
    %mul3A_2 = arith.muli %add3A, %mul3A_1 : i32
    %mul3A_3 = arith.constant 2 : i32
    %mul3A_4 = arith.muli %mul3A_3, %add3A : i32
    %broadcast_in_dim3A = vector.broadcast %mul3A_4 : i32 to vector<16xi32>
    "tpu.region"() ({
      %run_scoped3A = tpu.sem_alloc : memref<!tpu.dma_semaphore, #tpu.memory_space<semaphore_mem>>
      %dma_start3A_99 = tpu.memref_slice %arg2[%mul3A_2] : memref<3276800xi32, #tpu.memory_space<hbm>> -> memref<10240xi32, #tpu.memory_space<hbm>>
      %dma_start3A_100 = tpu.memref_slice %arg2[%mul3A_2] : memref<3276800xi32, #tpu.memory_space<hbm>> -> memref<10240xi32, #tpu.memory_space<hbm>>
      tpu.enqueue_dma source(%dma_start3A_100 : memref<10240xi32, #tpu.memory_space<hbm>>) target(%arg5 : memref<10240xi32, #tpu.memory_space<vmem>>) target_semaphore(%run_scoped3A : memref<!tpu.dma_semaphore, #tpu.memory_space<semaphore_mem>>)
      %dma_wait3A_101 = tpu.memref_slice %arg2[%mul3A_2] : memref<3276800xi32, #tpu.memory_space<hbm>> -> memref<10240xi32, #tpu.memory_space<hbm>>
      %dma_wait3A_102 = tpu.memref_slice %arg2[%mul3A_2] : memref<3276800xi32, #tpu.memory_space<hbm>> -> memref<10240xi32, #tpu.memory_space<hbm>>
      tpu.wait_dma2 semaphore(%run_scoped3A : memref<!tpu.dma_semaphore, #tpu.memory_space<semaphore_mem>>) src(%dma_wait3A_102 : memref<10240xi32, #tpu.memory_space<hbm>>) dst(%arg5 : memref<10240xi32, #tpu.memory_space<vmem>>)
      tpu.yield
    }) : () -> ()
    %scan3A = arith.constant 0 : i32
    %scan3A_5 = arith.constant 0 : i32
    %scan3A_6 = arith.constant 640 : i32
    %scan3A_7 = arith.addi %scan3A_5, %scan3A_6 : i32
    %scan3A_8 = arith.constant 1 : i32
    scf.for %scan3A_99 = %scan3A_5 to %scan3A_7 step %scan3A_8  : i32 {
      %mul3A_100 = arith.constant 16 : i32
      %mul3A_101 = arith.muli %scan3A_99, %mul3A_100 : i32
      %get3A = arith.index_cast %mul3A_101 : i32 to index
      %get3A_102 = tpu.vector_load %arg5[%get3A] {strides = array<i32>} : memref<10240xi32, #tpu.memory_space<vmem>>, vector<16xi32>,
      %get3A_103 = vector.shape_cast %get3A_102 : vector<16xi32> to vector<16xi32>
      %add3A_104 = arith.addi %get3A_103, %broadcast_in_dim3A : vector<16xi32>
      %mul3A_105 = arith.constant 16 : i32
      %mul3A_106 = arith.muli %scan3A_99, %mul3A_105 : i32
      %swap3A = arith.index_cast %mul3A_106 : i32 to index
      %swap3A_107 = tpu.vector_load %arg5[%swap3A] {strides = array<i32>} : memref<10240xi32, #tpu.memory_space<vmem>>, vector<16xi32>,
      %swap3A_108 = vector.shape_cast %swap3A_107 : vector<16xi32> to vector<16xi32>
      %swap3A_109 = vector.shape_cast %add3A_104 : vector<16xi32> to vector<16xi32>
      tpu.vector_store %arg5[%swap3A], %swap3A_109 {strides = array<i32>} : memref<10240xi32, #tpu.memory_space<vmem>>, vector<16xi32>,
    }
    %scan3A_9 = arith.constant 640 : i32
    %dma_start3A = arith.constant 0 : i32
    %dma_start3A_10 = arith.constant 0 : i32
    %dma_start3A_11 = arith.constant 0 : i32
    %dma_start3A_12 = arith.constant 0 : i32
    %dma_start3A_13 = tpu.memref_slice %arg6[%dma_start3A, %dma_start3A_11, %dma_start3A_12] : memref<4x16x1024xf32, #tpu.memory_space<vmem>> -> memref<1x16x1024xf32, #tpu.memory_space<vmem>>
    %dma_start3A_14 = tpu.memref_squeeze %dma_start3A_13 : memref<1x16x1024xf32, #tpu.memory_space<vmem>> -> memref<16x1024xf32, #tpu.memory_space<vmem>>
    %dma_start3A_15 = arith.constant 0 : i32
    %dma_start3A_16 = tpu.memref_slice %arg5[%dma_start3A_15] : memref<10240xi32, #tpu.memory_space<vmem>> -> memref<16xi32, #tpu.memory_space<vmem>>
    %dma_start3A_17 = arith.constant 0 : i32
    %dma_start3A_18 = arith.constant 0 : i32
    %dma_start3A_19 = tpu.memref_slice %arg3[%dma_start3A_17, %dma_start3A_18] : memref<64x1024xf32, #tpu.memory_space<hbm>> -> memref<64x1024xf32, #tpu.memory_space<hbm>>
    %dma_start3A_20 = tpu.memref_slice %arg7[%dma_start3A_10] : memref<4x!tpu.dma_semaphore, #tpu.memory_space<semaphore_mem>> -> memref<1x!tpu.dma_semaphore, #tpu.memory_space<semaphore_mem>>
    %dma_start3A_21 = tpu.memref_squeeze %dma_start3A_20 : memref<1x!tpu.dma_semaphore, #tpu.memory_space<semaphore_mem>> -> memref<!tpu.dma_semaphore, #tpu.memory_space<semaphore_mem>>
    tpu.enqueue_indirect_dma source(%dma_start3A_19 : memref<64x1024xf32, #tpu.memory_space<hbm>>) target(%dma_start3A_14 : memref<16x1024xf32, #tpu.memory_space<vmem>>) offsets(%dma_start3A_16 : memref<16xi32, #tpu.memory_space<vmem>>) semaphore(%dma_start3A_21 : memref<!tpu.dma_semaphore, #tpu.memory_space<semaphore_mem>>)
    %scan3A_22 = arith.constant 0 : i32
    %scan3A_23 = arith.constant 0 : i32
    %scan3A_24 = arith.constant 1600 : i32
    %scan3A_25 = arith.addi %scan3A_23, %scan3A_24 : i32
    %scan3A_26 = arith.constant 1 : i32
    scf.for %scan3A_99 = %scan3A_23 to %scan3A_25 step %scan3A_26  : i32 {
      %mul3A_100 = arith.constant 4 : i32
      %mul3A_101 = arith.muli %scan3A_99, %mul3A_100 : i32
      %add3A_102 = arith.constant 0 : i32
      %add3A_103 = arith.addi %mul3A_101, %add3A_102 : i32
      %dma_wait3A_104 = arith.constant 0 : i32
      %dma_wait3A_105 = arith.constant 0 : i32
      %dma_wait3A_106 = arith.constant 0 : i32
      %dma_wait3A_107 = arith.constant 0 : i32
      %dma_wait3A_108 = tpu.memref_slice %arg6[%dma_wait3A_104, %dma_wait3A_106, %dma_wait3A_107] : memref<4x16x1024xf32, #tpu.memory_space<vmem>> -> memref<1x16x1024xf32, #tpu.memory_space<vmem>>
      %dma_wait3A_109 = tpu.memref_squeeze %dma_wait3A_108 : memref<1x16x1024xf32, #tpu.memory_space<vmem>> -> memref<16x1024xf32, #tpu.memory_space<vmem>>
      %dma_wait3A_110 = arith.constant 0 : i32
      %dma_wait3A_111 = tpu.memref_slice %arg5[%dma_wait3A_110] : memref<10240xi32, #tpu.memory_space<vmem>> -> memref<16xi32, #tpu.memory_space<vmem>>
      %dma_wait3A_112 = arith.constant 0 : i32
      %dma_wait3A_113 = arith.constant 0 : i32
      %dma_wait3A_114 = tpu.memref_slice %arg3[%dma_wait3A_112, %dma_wait3A_113] : memref<64x1024xf32, #tpu.memory_space<hbm>> -> memref<64x1024xf32, #tpu.memory_space<hbm>>
      %dma_wait3A_115 = tpu.memref_slice %arg7[%dma_wait3A_105] : memref<4x!tpu.dma_semaphore, #tpu.memory_space<semaphore_mem>> -> memref<1x!tpu.dma_semaphore, #tpu.memory_space<semaphore_mem>>
      %dma_wait3A_116 = tpu.memref_squeeze %dma_wait3A_115 : memref<1x!tpu.dma_semaphore, #tpu.memory_space<semaphore_mem>> -> memref<!tpu.dma_semaphore, #tpu.memory_space<semaphore_mem>>
      tpu.wait_indirect_dma semaphore(%dma_wait3A_116 : memref<!tpu.dma_semaphore, #tpu.memory_space<semaphore_mem>>) src(%dma_wait3A_114 : memref<64x1024xf32, #tpu.memory_space<hbm>>) dst(%dma_wait3A_109 : memref<16x1024xf32, #tpu.memory_space<vmem>>)
      %add3A_117 = arith.constant 1 : i32
      %add3A_118 = arith.addi %add3A_103, %add3A_117 : i32
      %rem3A = arith.constant 640 : i32
      %rem3A_119 = arith.remsi %add3A_118, %rem3A : i32
      %eq3A = arith.constant 0 : i32
      %eq3A_120 = arith.cmpi eq, %rem3A_119, %eq3A : i32
      %convert_element_type3A = arith.extui %eq3A_120 : i1 to i32
      %cond3A = arith.constant 0 : i32
      %cond3A_121 = arith.cmpi ne, %convert_element_type3A, %cond3A : i32
      scf.if %cond3A_121 {
        %add3A_303 = arith.constant 1 : i32
        %add3A_304 = arith.addi %add3A_103, %add3A_303 : i32
        %mul3A_305 = arith.constant 16 : i32
        %mul3A_306 = arith.muli %add3A_304, %mul3A_305 : i32
        %add3A_307 = arith.addi %mul3A_2, %mul3A_306 : i32
        "tpu.region"() ({
          %run_scoped3A = tpu.sem_alloc : memref<!tpu.dma_semaphore, #tpu.memory_space<semaphore_mem>>
          %dma_start3A_314 = tpu.memref_slice %arg2[%add3A_307] : memref<3276800xi32, #tpu.memory_space<hbm>> -> memref<10240xi32, #tpu.memory_space<hbm>>
          %dma_start3A_315 = tpu.memref_slice %arg2[%add3A_307] : memref<3276800xi32, #tpu.memory_space<hbm>> -> memref<10240xi32, #tpu.memory_space<hbm>>
          tpu.enqueue_dma source(%dma_start3A_315 : memref<10240xi32, #tpu.memory_space<hbm>>) target(%arg5 : memref<10240xi32, #tpu.memory_space<vmem>>) target_semaphore(%run_scoped3A : memref<!tpu.dma_semaphore, #tpu.memory_space<semaphore_mem>>)
          %dma_wait3A_316 = tpu.memref_slice %arg2[%add3A_307] : memref<3276800xi32, #tpu.memory_space<hbm>> -> memref<10240xi32, #tpu.memory_space<hbm>>
          %dma_wait3A_317 = tpu.memref_slice %arg2[%add3A_307] : memref<3276800xi32, #tpu.memory_space<hbm>> -> memref<10240xi32, #tpu.memory_space<hbm>>
          tpu.wait_dma2 semaphore(%run_scoped3A : memref<!tpu.dma_semaphore, #tpu.memory_space<semaphore_mem>>) src(%dma_wait3A_317 : memref<10240xi32, #tpu.memory_space<hbm>>) dst(%arg5 : memref<10240xi32, #tpu.memory_space<vmem>>)
          tpu.yield
        }) : () -> ()
        %scan3A_308 = arith.constant 0 : i32
        %scan3A_309 = arith.constant 0 : i32
        %scan3A_310 = arith.constant 640 : i32
        %scan3A_311 = arith.addi %scan3A_309, %scan3A_310 : i32
        %scan3A_312 = arith.constant 1 : i32
        scf.for %scan3A_314 = %scan3A_309 to %scan3A_311 step %scan3A_312  : i32 {
          %mul3A_315 = arith.constant 16 : i32
          %mul3A_316 = arith.muli %scan3A_314, %mul3A_315 : i32
          %get3A = arith.index_cast %mul3A_316 : i32 to index
          %get3A_317 = tpu.vector_load %arg5[%get3A] {strides = array<i32>} : memref<10240xi32, #tpu.memory_space<vmem>>, vector<16xi32>,
          %get3A_318 = vector.shape_cast %get3A_317 : vector<16xi32> to vector<16xi32>
          %add3A_319 = arith.addi %get3A_318, %broadcast_in_dim3A : vector<16xi32>
          %mul3A_320 = arith.constant 16 : i32
          %mul3A_321 = arith.muli %scan3A_314, %mul3A_320 : i32
          %swap3A = arith.index_cast %mul3A_321 : i32 to index
          %swap3A_322 = tpu.vector_load %arg5[%swap3A] {strides = array<i32>} : memref<10240xi32, #tpu.memory_space<vmem>>, vector<16xi32>,
          %swap3A_323 = vector.shape_cast %swap3A_322 : vector<16xi32> to vector<16xi32>
          %swap3A_324 = vector.shape_cast %add3A_319 : vector<16xi32> to vector<16xi32>
          tpu.vector_store %arg5[%swap3A], %swap3A_324 {strides = array<i32>} : memref<10240xi32, #tpu.memory_space<vmem>>, vector<16xi32>,
        }
        %scan3A_313 = arith.constant 640 : i32
      } else {
      }
      %add3A_122 = arith.constant 1 : i32
      %add3A_123 = arith.addi %add3A_103, %add3A_122 : i32
      %lt3A = arith.constant 6400 : i32
      %lt3A_124 = arith.cmpi slt, %add3A_123, %lt3A : i32
      %convert_element_type3A_125 = arith.extui %lt3A_124 : i1 to i32
      %cond3A_126 = arith.constant 0 : i32
      %cond3A_127 = arith.cmpi ne, %convert_element_type3A_125, %cond3A_126 : i32
      scf.if %cond3A_127 {
        %add3A_303 = arith.constant 1 : i32
        %add3A_304 = arith.addi %add3A_103, %add3A_303 : i32
        %ge3A = arith.constant 4 : i32
        %ge3A_305 = arith.cmpi sge, %add3A_304, %ge3A : i32
        %convert_element_type3A_306 = arith.extui %ge3A_305 : i1 to i32
        %cond3A_307 = arith.constant 0 : i32
        %cond3A_308 = arith.cmpi ne, %convert_element_type3A_306, %cond3A_307 : i32
        scf.if %cond3A_308 {
          %dma_wait3A_327 = arith.constant 1 : i32
          %dma_wait3A_328 = arith.constant 1 : i32
          %dma_wait3A_329 = arith.constant 0 : i32
          %dma_wait3A_330 = arith.constant 0 : i32
          %dma_wait3A_331 = tpu.memref_slice %arg6[%dma_wait3A_327, %dma_wait3A_329, %dma_wait3A_330] : memref<4x16x1024xf32, #tpu.memory_space<vmem>> -> memref<1x16x1024xf32, #tpu.memory_space<vmem>>
          %dma_wait3A_332 = tpu.memref_squeeze %dma_wait3A_331 : memref<1x16x1024xf32, #tpu.memory_space<vmem>> -> memref<16x1024xf32, #tpu.memory_space<vmem>>
          %dma_wait3A_333 = arith.constant 0 : i32
          %dma_wait3A_334 = arith.constant 0 : i32
          %dma_wait3A_335 = tpu.memref_slice %arg4[%dma_wait3A_333, %dma_wait3A_334] : memref<3276800x1024xf32, #tpu.memory_space<hbm>> -> memref<16x1024xf32, #tpu.memory_space<hbm>>
          %dma_wait3A_336 = tpu.memref_slice %arg8[%dma_wait3A_328] : memref<4x!tpu.dma_semaphore, #tpu.memory_space<semaphore_mem>> -> memref<1x!tpu.dma_semaphore, #tpu.memory_space<semaphore_mem>>
          %dma_wait3A_337 = tpu.memref_squeeze %dma_wait3A_336 : memref<1x!tpu.dma_semaphore, #tpu.memory_space<semaphore_mem>> -> memref<!tpu.dma_semaphore, #tpu.memory_space<semaphore_mem>>
          %dma_wait3A_338 = arith.constant 0 : i32
          %dma_wait3A_339 = arith.constant 0 : i32
          %dma_wait3A_340 = tpu.memref_slice %arg4[%dma_wait3A_338, %dma_wait3A_339] : memref<3276800x1024xf32, #tpu.memory_space<hbm>> -> memref<16x1024xf32, #tpu.memory_space<hbm>>
          %dma_wait3A_341 = arith.constant 0 : i32
          %dma_wait3A_342 = arith.constant 0 : i32
          %dma_wait3A_343 = tpu.memref_slice %arg6[%dma_wait3A_327, %dma_wait3A_341, %dma_wait3A_342] : memref<4x16x1024xf32, #tpu.memory_space<vmem>> -> memref<1x16x1024xf32, #tpu.memory_space<vmem>>
          %dma_wait3A_344 = tpu.memref_squeeze %dma_wait3A_343 : memref<1x16x1024xf32, #tpu.memory_space<vmem>> -> memref<16x1024xf32, #tpu.memory_space<vmem>>
          tpu.wait_dma2 semaphore(%dma_wait3A_337 : memref<!tpu.dma_semaphore, #tpu.memory_space<semaphore_mem>>) src(%dma_wait3A_344 : memref<16x1024xf32, #tpu.memory_space<vmem>>) dst(%dma_wait3A_340 : memref<16x1024xf32, #tpu.memory_space<hbm>>)
        } else {
        }
        %add3A_309 = arith.constant 1 : i32
        %add3A_310 = arith.addi %add3A_103, %add3A_309 : i32
        %mul3A_311 = arith.constant 16 : i32
        %mul3A_312 = arith.muli %add3A_310, %mul3A_311 : i32
        %rem3A_313 = arith.constant 10240 : i32
        %rem3A_314 = arith.remsi %mul3A_312, %rem3A_313 : i32
        %dma_start3A_315 = arith.constant 1 : i32
        %dma_start3A_316 = arith.constant 1 : i32
        %dma_start3A_317 = arith.constant 0 : i32
        %dma_start3A_318 = arith.constant 0 : i32
        %dma_start3A_319 = tpu.memref_slice %arg6[%dma_start3A_315, %dma_start3A_317, %dma_start3A_318] : memref<4x16x1024xf32, #tpu.memory_space<vmem>> -> memref<1x16x1024xf32, #tpu.memory_space<vmem>>
        %dma_start3A_320 = tpu.memref_squeeze %dma_start3A_319 : memref<1x16x1024xf32, #tpu.memory_space<vmem>> -> memref<16x1024xf32, #tpu.memory_space<vmem>>
        %dma_start3A_321 = tpu.memref_slice %arg5[%rem3A_314] : memref<10240xi32, #tpu.memory_space<vmem>> -> memref<16xi32, #tpu.memory_space<vmem>>
        %dma_start3A_322 = arith.constant 0 : i32
        %dma_start3A_323 = arith.constant 0 : i32
        %dma_start3A_324 = tpu.memref_slice %arg3[%dma_start3A_322, %dma_start3A_323] : memref<64x1024xf32, #tpu.memory_space<hbm>> -> memref<64x1024xf32, #tpu.memory_space<hbm>>
        %dma_start3A_325 = tpu.memref_slice %arg7[%dma_start3A_316] : memref<4x!tpu.dma_semaphore, #tpu.memory_space<semaphore_mem>> -> memref<1x!tpu.dma_semaphore, #tpu.memory_space<semaphore_mem>>
        %dma_start3A_326 = tpu.memref_squeeze %dma_start3A_325 : memref<1x!tpu.dma_semaphore, #tpu.memory_space<semaphore_mem>> -> memref<!tpu.dma_semaphore, #tpu.memory_space<semaphore_mem>>
        tpu.enqueue_indirect_dma source(%dma_start3A_324 : memref<64x1024xf32, #tpu.memory_space<hbm>>) target(%dma_start3A_320 : memref<16x1024xf32, #tpu.memory_space<vmem>>) offsets(%dma_start3A_321 : memref<16xi32, #tpu.memory_space<vmem>>) semaphore(%dma_start3A_326 : memref<!tpu.dma_semaphore, #tpu.memory_space<semaphore_mem>>)
      } else {
      }
      %mul3A_128 = arith.constant 16 : i32
      %mul3A_129 = arith.muli %add3A_103, %mul3A_128 : i32
      %add3A_130 = arith.addi %mul3A_2, %mul3A_129 : i32
      %dma_start3A_131 = arith.constant 0 : i32
      %dma_start3A_132 = arith.constant 0 : i32
      %dma_start3A_133 = arith.constant 0 : i32
      %dma_start3A_134 = arith.constant 0 : i32
      %dma_start3A_135 = tpu.memref_slice %arg6[%dma_start3A_131, %dma_start3A_133, %dma_start3A_134] : memref<4x16x1024xf32, #tpu.memory_space<vmem>> -> memref<1x16x1024xf32, #tpu.memory_space<vmem>>
      %dma_start3A_136 = tpu.memref_squeeze %dma_start3A_135 : memref<1x16x1024xf32, #tpu.memory_space<vmem>> -> memref<16x1024xf32, #tpu.memory_space<vmem>>
      %dma_start3A_137 = arith.constant 0 : i32
      %dma_start3A_138 = tpu.memref_slice %arg4[%add3A_130, %dma_start3A_137] : memref<3276800x1024xf32, #tpu.memory_space<hbm>> -> memref<16x1024xf32, #tpu.memory_space<hbm>>
      %dma_start3A_139 = tpu.memref_slice %arg8[%dma_start3A_132] : memref<4x!tpu.dma_semaphore, #tpu.memory_space<semaphore_mem>> -> memref<1x!tpu.dma_semaphore, #tpu.memory_space<semaphore_mem>>
      %dma_start3A_140 = tpu.memref_squeeze %dma_start3A_139 : memref<1x!tpu.dma_semaphore, #tpu.memory_space<semaphore_mem>> -> memref<!tpu.dma_semaphore, #tpu.memory_space<semaphore_mem>>
      %dma_start3A_141 = arith.constant 0 : i32
      %dma_start3A_142 = tpu.memref_slice %arg4[%add3A_130, %dma_start3A_141] : memref<3276800x1024xf32, #tpu.memory_space<hbm>> -> memref<16x1024xf32, #tpu.memory_space<hbm>>
      %dma_start3A_143 = arith.constant 0 : i32
      %dma_start3A_144 = arith.constant 0 : i32
      %dma_start3A_145 = tpu.memref_slice %arg6[%dma_start3A_131, %dma_start3A_143, %dma_start3A_144] : memref<4x16x1024xf32, #tpu.memory_space<vmem>> -> memref<1x16x1024xf32, #tpu.memory_space<vmem>>
      %dma_start3A_146 = tpu.memref_squeeze %dma_start3A_145 : memref<1x16x1024xf32, #tpu.memory_space<vmem>> -> memref<16x1024xf32, #tpu.memory_space<vmem>>
      tpu.enqueue_dma source(%dma_start3A_146 : memref<16x1024xf32, #tpu.memory_space<vmem>>) target(%dma_start3A_142 : memref<16x1024xf32, #tpu.memory_space<hbm>>) target_semaphore(%dma_start3A_140 : memref<!tpu.dma_semaphore, #tpu.memory_space<semaphore_mem>>)
      %mul3A_147 = arith.constant 4 : i32
      %mul3A_148 = arith.muli %scan3A_99, %mul3A_147 : i32
      %add3A_149 = arith.constant 1 : i32
      %add3A_150 = arith.addi %mul3A_148, %add3A_149 : i32
      %dma_wait3A_151 = arith.constant 1 : i32
      %dma_wait3A_152 = arith.constant 1 : i32
      %dma_wait3A_153 = arith.constant 0 : i32
      %dma_wait3A_154 = arith.constant 0 : i32
      %dma_wait3A_155 = tpu.memref_slice %arg6[%dma_wait3A_151, %dma_wait3A_153, %dma_wait3A_154] : memref<4x16x1024xf32, #tpu.memory_space<vmem>> -> memref<1x16x1024xf32, #tpu.memory_space<vmem>>
      %dma_wait3A_156 = tpu.memref_squeeze %dma_wait3A_155 : memref<1x16x1024xf32, #tpu.memory_space<vmem>> -> memref<16x1024xf32, #tpu.memory_space<vmem>>
      %dma_wait3A_157 = arith.constant 0 : i32
      %dma_wait3A_158 = tpu.memref_slice %arg5[%dma_wait3A_157] : memref<10240xi32, #tpu.memory_space<vmem>> -> memref<16xi32, #tpu.memory_space<vmem>>
      %dma_wait3A_159 = arith.constant 0 : i32
      %dma_wait3A_160 = arith.constant 0 : i32
      %dma_wait3A_161 = tpu.memref_slice %arg3[%dma_wait3A_159, %dma_wait3A_160] : memref<64x1024xf32, #tpu.memory_space<hbm>> -> memref<64x1024xf32, #tpu.memory_space<hbm>>
      %dma_wait3A_162 = tpu.memref_slice %arg7[%dma_wait3A_152] : memref<4x!tpu.dma_semaphore, #tpu.memory_space<semaphore_mem>> -> memref<1x!tpu.dma_semaphore, #tpu.memory_space<semaphore_mem>>
      %dma_wait3A_163 = tpu.memref_squeeze %dma_wait3A_162 : memref<1x!tpu.dma_semaphore, #tpu.memory_space<semaphore_mem>> -> memref<!tpu.dma_semaphore, #tpu.memory_space<semaphore_mem>>
      tpu.wait_indirect_dma semaphore(%dma_wait3A_163 : memref<!tpu.dma_semaphore, #tpu.memory_space<semaphore_mem>>) src(%dma_wait3A_161 : memref<64x1024xf32, #tpu.memory_space<hbm>>) dst(%dma_wait3A_156 : memref<16x1024xf32, #tpu.memory_space<vmem>>)
      %add3A_164 = arith.constant 1 : i32
      %add3A_165 = arith.addi %add3A_150, %add3A_164 : i32
      %rem3A_166 = arith.constant 640 : i32
      %rem3A_167 = arith.remsi %add3A_165, %rem3A_166 : i32
      %eq3A_168 = arith.constant 0 : i32
      %eq3A_169 = arith.cmpi eq, %rem3A_167, %eq3A_168 : i32
      %convert_element_type3A_170 = arith.extui %eq3A_169 : i1 to i32
      %cond3A_171 = arith.constant 0 : i32
      %cond3A_172 = arith.cmpi ne, %convert_element_type3A_170, %cond3A_171 : i32
      scf.if %cond3A_172 {
        %add3A_303 = arith.constant 1 : i32
        %add3A_304 = arith.addi %add3A_150, %add3A_303 : i32
        %mul3A_305 = arith.constant 16 : i32
        %mul3A_306 = arith.muli %add3A_304, %mul3A_305 : i32
        %add3A_307 = arith.addi %mul3A_2, %mul3A_306 : i32
        "tpu.region"() ({
          %run_scoped3A = tpu.sem_alloc : memref<!tpu.dma_semaphore, #tpu.memory_space<semaphore_mem>>
          %dma_start3A_314 = tpu.memref_slice %arg2[%add3A_307] : memref<3276800xi32, #tpu.memory_space<hbm>> -> memref<10240xi32, #tpu.memory_space<hbm>>
          %dma_start3A_315 = tpu.memref_slice %arg2[%add3A_307] : memref<3276800xi32, #tpu.memory_space<hbm>> -> memref<10240xi32, #tpu.memory_space<hbm>>
          tpu.enqueue_dma source(%dma_start3A_315 : memref<10240xi32, #tpu.memory_space<hbm>>) target(%arg5 : memref<10240xi32, #tpu.memory_space<vmem>>) target_semaphore(%run_scoped3A : memref<!tpu.dma_semaphore, #tpu.memory_space<semaphore_mem>>)
          %dma_wait3A_316 = tpu.memref_slice %arg2[%add3A_307] : memref<3276800xi32, #tpu.memory_space<hbm>> -> memref<10240xi32, #tpu.memory_space<hbm>>
          %dma_wait3A_317 = tpu.memref_slice %arg2[%add3A_307] : memref<3276800xi32, #tpu.memory_space<hbm>> -> memref<10240xi32, #tpu.memory_space<hbm>>
          tpu.wait_dma2 semaphore(%run_scoped3A : memref<!tpu.dma_semaphore, #tpu.memory_space<semaphore_mem>>) src(%dma_wait3A_317 : memref<10240xi32, #tpu.memory_space<hbm>>) dst(%arg5 : memref<10240xi32, #tpu.memory_space<vmem>>)
          tpu.yield
        }) : () -> ()
        %scan3A_308 = arith.constant 0 : i32
        %scan3A_309 = arith.constant 0 : i32
        %scan3A_310 = arith.constant 640 : i32
        %scan3A_311 = arith.addi %scan3A_309, %scan3A_310 : i32
        %scan3A_312 = arith.constant 1 : i32
        scf.for %scan3A_314 = %scan3A_309 to %scan3A_311 step %scan3A_312  : i32 {
          %mul3A_315 = arith.constant 16 : i32
          %mul3A_316 = arith.muli %scan3A_314, %mul3A_315 : i32
          %get3A = arith.index_cast %mul3A_316 : i32 to index
          %get3A_317 = tpu.vector_load %arg5[%get3A] {strides = array<i32>} : memref<10240xi32, #tpu.memory_space<vmem>>, vector<16xi32>,
          %get3A_318 = vector.shape_cast %get3A_317 : vector<16xi32> to vector<16xi32>
          %add3A_319 = arith.addi %get3A_318, %broadcast_in_dim3A : vector<16xi32>
          %mul3A_320 = arith.constant 16 : i32
          %mul3A_321 = arith.muli %scan3A_314, %mul3A_320 : i32
          %swap3A = arith.index_cast %mul3A_321 : i32 to index
          %swap3A_322 = tpu.vector_load %arg5[%swap3A] {strides = array<i32>} : memref<10240xi32, #tpu.memory_space<vmem>>, vector<16xi32>,
          %swap3A_323 = vector.shape_cast %swap3A_322 : vector<16xi32> to vector<16xi32>
          %swap3A_324 = vector.shape_cast %add3A_319 : vector<16xi32> to vector<16xi32>
          tpu.vector_store %arg5[%swap3A], %swap3A_324 {strides = array<i32>} : memref<10240xi32, #tpu.memory_space<vmem>>, vector<16xi32>,
        }
        %scan3A_313 = arith.constant 640 : i32
      } else {
      }
      %add3A_173 = arith.constant 1 : i32
      %add3A_174 = arith.addi %add3A_150, %add3A_173 : i32
      %lt3A_175 = arith.constant 6400 : i32
      %lt3A_176 = arith.cmpi slt, %add3A_174, %lt3A_175 : i32
      %convert_element_type3A_177 = arith.extui %lt3A_176 : i1 to i32
      %cond3A_178 = arith.constant 0 : i32
      %cond3A_179 = arith.cmpi ne, %convert_element_type3A_177, %cond3A_178 : i32
      scf.if %cond3A_179 {
        %add3A_303 = arith.constant 1 : i32
        %add3A_304 = arith.addi %add3A_150, %add3A_303 : i32
        %ge3A = arith.constant 4 : i32
        %ge3A_305 = arith.cmpi sge, %add3A_304, %ge3A : i32
        %convert_element_type3A_306 = arith.extui %ge3A_305 : i1 to i32
        %cond3A_307 = arith.constant 0 : i32
        %cond3A_308 = arith.cmpi ne, %convert_element_type3A_306, %cond3A_307 : i32
        scf.if %cond3A_308 {
          %dma_wait3A_327 = arith.constant 2 : i32
          %dma_wait3A_328 = arith.constant 2 : i32
          %dma_wait3A_329 = arith.constant 0 : i32
          %dma_wait3A_330 = arith.constant 0 : i32
          %dma_wait3A_331 = tpu.memref_slice %arg6[%dma_wait3A_327, %dma_wait3A_329, %dma_wait3A_330] : memref<4x16x1024xf32, #tpu.memory_space<vmem>> -> memref<1x16x1024xf32, #tpu.memory_space<vmem>>
          %dma_wait3A_332 = tpu.memref_squeeze %dma_wait3A_331 : memref<1x16x1024xf32, #tpu.memory_space<vmem>> -> memref<16x1024xf32, #tpu.memory_space<vmem>>
          %dma_wait3A_333 = arith.constant 0 : i32
          %dma_wait3A_334 = arith.constant 0 : i32
          %dma_wait3A_335 = tpu.memref_slice %arg4[%dma_wait3A_333, %dma_wait3A_334] : memref<3276800x1024xf32, #tpu.memory_space<hbm>> -> memref<16x1024xf32, #tpu.memory_space<hbm>>
          %dma_wait3A_336 = tpu.memref_slice %arg8[%dma_wait3A_328] : memref<4x!tpu.dma_semaphore, #tpu.memory_space<semaphore_mem>> -> memref<1x!tpu.dma_semaphore, #tpu.memory_space<semaphore_mem>>
          %dma_wait3A_337 = tpu.memref_squeeze %dma_wait3A_336 : memref<1x!tpu.dma_semaphore, #tpu.memory_space<semaphore_mem>> -> memref<!tpu.dma_semaphore, #tpu.memory_space<semaphore_mem>>
          %dma_wait3A_338 = arith.constant 0 : i32
          %dma_wait3A_339 = arith.constant 0 : i32
          %dma_wait3A_340 = tpu.memref_slice %arg4[%dma_wait3A_338, %dma_wait3A_339] : memref<3276800x1024xf32, #tpu.memory_space<hbm>> -> memref<16x1024xf32, #tpu.memory_space<hbm>>
          %dma_wait3A_341 = arith.constant 0 : i32
          %dma_wait3A_342 = arith.constant 0 : i32
          %dma_wait3A_343 = tpu.memref_slice %arg6[%dma_wait3A_327, %dma_wait3A_341, %dma_wait3A_342] : memref<4x16x1024xf32, #tpu.memory_space<vmem>> -> memref<1x16x1024xf32, #tpu.memory_space<vmem>>
          %dma_wait3A_344 = tpu.memref_squeeze %dma_wait3A_343 : memref<1x16x1024xf32, #tpu.memory_space<vmem>> -> memref<16x1024xf32, #tpu.memory_space<vmem>>
          tpu.wait_dma2 semaphore(%dma_wait3A_337 : memref<!tpu.dma_semaphore, #tpu.memory_space<semaphore_mem>>) src(%dma_wait3A_344 : memref<16x1024xf32, #tpu.memory_space<vmem>>) dst(%dma_wait3A_340 : memref<16x1024xf32, #tpu.memory_space<hbm>>)
        } else {
        }
        %add3A_309 = arith.constant 1 : i32
        %add3A_310 = arith.addi %add3A_150, %add3A_309 : i32
        %mul3A_311 = arith.constant 16 : i32
        %mul3A_312 = arith.muli %add3A_310, %mul3A_311 : i32
        %rem3A_313 = arith.constant 10240 : i32
        %rem3A_314 = arith.remsi %mul3A_312, %rem3A_313 : i32
        %dma_start3A_315 = arith.constant 2 : i32
        %dma_start3A_316 = arith.constant 2 : i32
        %dma_start3A_317 = arith.constant 0 : i32
        %dma_start3A_318 = arith.constant 0 : i32
        %dma_start3A_319 = tpu.memref_slice %arg6[%dma_start3A_315, %dma_start3A_317, %dma_start3A_318] : memref<4x16x1024xf32, #tpu.memory_space<vmem>> -> memref<1x16x1024xf32, #tpu.memory_space<vmem>>
        %dma_start3A_320 = tpu.memref_squeeze %dma_start3A_319 : memref<1x16x1024xf32, #tpu.memory_space<vmem>> -> memref<16x1024xf32, #tpu.memory_space<vmem>>
        %dma_start3A_321 = tpu.memref_slice %arg5[%rem3A_314] : memref<10240xi32, #tpu.memory_space<vmem>> -> memref<16xi32, #tpu.memory_space<vmem>>
        %dma_start3A_322 = arith.constant 0 : i32
        %dma_start3A_323 = arith.constant 0 : i32
        %dma_start3A_324 = tpu.memref_slice %arg3[%dma_start3A_322, %dma_start3A_323] : memref<64x1024xf32, #tpu.memory_space<hbm>> -> memref<64x1024xf32, #tpu.memory_space<hbm>>
        %dma_start3A_325 = tpu.memref_slice %arg7[%dma_start3A_316] : memref<4x!tpu.dma_semaphore, #tpu.memory_space<semaphore_mem>> -> memref<1x!tpu.dma_semaphore, #tpu.memory_space<semaphore_mem>>
        %dma_start3A_326 = tpu.memref_squeeze %dma_start3A_325 : memref<1x!tpu.dma_semaphore, #tpu.memory_space<semaphore_mem>> -> memref<!tpu.dma_semaphore, #tpu.memory_space<semaphore_mem>>
        tpu.enqueue_indirect_dma source(%dma_start3A_324 : memref<64x1024xf32, #tpu.memory_space<hbm>>) target(%dma_start3A_320 : memref<16x1024xf32, #tpu.memory_space<vmem>>) offsets(%dma_start3A_321 : memref<16xi32, #tpu.memory_space<vmem>>) semaphore(%dma_start3A_326 : memref<!tpu.dma_semaphore, #tpu.memory_space<semaphore_mem>>)
      } else {
      }
      %mul3A_180 = arith.constant 16 : i32
      %mul3A_181 = arith.muli %add3A_150, %mul3A_180 : i32
      %add3A_182 = arith.addi %mul3A_2, %mul3A_181 : i32
      %dma_start3A_183 = arith.constant 1 : i32
      %dma_start3A_184 = arith.constant 1 : i32
      %dma_start3A_185 = arith.constant 0 : i32
      %dma_start3A_186 = arith.constant 0 : i32
      %dma_start3A_187 = tpu.memref_slice %arg6[%dma_start3A_183, %dma_start3A_185, %dma_start3A_186] : memref<4x16x1024xf32, #tpu.memory_space<vmem>> -> memref<1x16x1024xf32, #tpu.memory_space<vmem>>
      %dma_start3A_188 = tpu.memref_squeeze %dma_start3A_187 : memref<1x16x1024xf32, #tpu.memory_space<vmem>> -> memref<16x1024xf32, #tpu.memory_space<vmem>>
      %dma_start3A_189 = arith.constant 0 : i32
      %dma_start3A_190 = tpu.memref_slice %arg4[%add3A_182, %dma_start3A_189] : memref<3276800x1024xf32, #tpu.memory_space<hbm>> -> memref<16x1024xf32, #tpu.memory_space<hbm>>
      %dma_start3A_191 = tpu.memref_slice %arg8[%dma_start3A_184] : memref<4x!tpu.dma_semaphore, #tpu.memory_space<semaphore_mem>> -> memref<1x!tpu.dma_semaphore, #tpu.memory_space<semaphore_mem>>
      %dma_start3A_192 = tpu.memref_squeeze %dma_start3A_191 : memref<1x!tpu.dma_semaphore, #tpu.memory_space<semaphore_mem>> -> memref<!tpu.dma_semaphore, #tpu.memory_space<semaphore_mem>>
      %dma_start3A_193 = arith.constant 0 : i32
      %dma_start3A_194 = tpu.memref_slice %arg4[%add3A_182, %dma_start3A_193] : memref<3276800x1024xf32, #tpu.memory_space<hbm>> -> memref<16x1024xf32, #tpu.memory_space<hbm>>
      %dma_start3A_195 = arith.constant 0 : i32
      %dma_start3A_196 = arith.constant 0 : i32
      %dma_start3A_197 = tpu.memref_slice %arg6[%dma_start3A_183, %dma_start3A_195, %dma_start3A_196] : memref<4x16x1024xf32, #tpu.memory_space<vmem>> -> memref<1x16x1024xf32, #tpu.memory_space<vmem>>
      %dma_start3A_198 = tpu.memref_squeeze %dma_start3A_197 : memref<1x16x1024xf32, #tpu.memory_space<vmem>> -> memref<16x1024xf32, #tpu.memory_space<vmem>>
      tpu.enqueue_dma source(%dma_start3A_198 : memref<16x1024xf32, #tpu.memory_space<vmem>>) target(%dma_start3A_194 : memref<16x1024xf32, #tpu.memory_space<hbm>>) target_semaphore(%dma_start3A_192 : memref<!tpu.dma_semaphore, #tpu.memory_space<semaphore_mem>>)
      %mul3A_199 = arith.constant 4 : i32
      %mul3A_200 = arith.muli %scan3A_99, %mul3A_199 : i32
      %add3A_201 = arith.constant 2 : i32
      %add3A_202 = arith.addi %mul3A_200, %add3A_201 : i32
      %dma_wait3A_203 = arith.constant 2 : i32
      %dma_wait3A_204 = arith.constant 2 : i32
      %dma_wait3A_205 = arith.constant 0 : i32
      %dma_wait3A_206 = arith.constant 0 : i32
      %dma_wait3A_207 = tpu.memref_slice %arg6[%dma_wait3A_203, %dma_wait3A_205, %dma_wait3A_206] : memref<4x16x1024xf32, #tpu.memory_space<vmem>> -> memref<1x16x1024xf32, #tpu.memory_space<vmem>>
      %dma_wait3A_208 = tpu.memref_squeeze %dma_wait3A_207 : memref<1x16x1024xf32, #tpu.memory_space<vmem>> -> memref<16x1024xf32, #tpu.memory_space<vmem>>
      %dma_wait3A_209 = arith.constant 0 : i32
      %dma_wait3A_210 = tpu.memref_slice %arg5[%dma_wait3A_209] : memref<10240xi32, #tpu.memory_space<vmem>> -> memref<16xi32, #tpu.memory_space<vmem>>
      %dma_wait3A_211 = arith.constant 0 : i32
      %dma_wait3A_212 = arith.constant 0 : i32
      %dma_wait3A_213 = tpu.memref_slice %arg3[%dma_wait3A_211, %dma_wait3A_212] : memref<64x1024xf32, #tpu.memory_space<hbm>> -> memref<64x1024xf32, #tpu.memory_space<hbm>>
      %dma_wait3A_214 = tpu.memref_slice %arg7[%dma_wait3A_204] : memref<4x!tpu.dma_semaphore, #tpu.memory_space<semaphore_mem>> -> memref<1x!tpu.dma_semaphore, #tpu.memory_space<semaphore_mem>>
      %dma_wait3A_215 = tpu.memref_squeeze %dma_wait3A_214 : memref<1x!tpu.dma_semaphore, #tpu.memory_space<semaphore_mem>> -> memref<!tpu.dma_semaphore, #tpu.memory_space<semaphore_mem>>
      tpu.wait_indirect_dma semaphore(%dma_wait3A_215 : memref<!tpu.dma_semaphore, #tpu.memory_space<semaphore_mem>>) src(%dma_wait3A_213 : memref<64x1024xf32, #tpu.memory_space<hbm>>) dst(%dma_wait3A_208 : memref<16x1024xf32, #tpu.memory_space<vmem>>)
      %add3A_216 = arith.constant 1 : i32
      %add3A_217 = arith.addi %add3A_202, %add3A_216 : i32
      %rem3A_218 = arith.constant 640 : i32
      %rem3A_219 = arith.remsi %add3A_217, %rem3A_218 : i32
      %eq3A_220 = arith.constant 0 : i32
      %eq3A_221 = arith.cmpi eq, %rem3A_219, %eq3A_220 : i32
      %convert_element_type3A_222 = arith.extui %eq3A_221 : i1 to i32
      %cond3A_223 = arith.constant 0 : i32
      %cond3A_224 = arith.cmpi ne, %convert_element_type3A_222, %cond3A_223 : i32
      scf.if %cond3A_224 {
        %add3A_303 = arith.constant 1 : i32
        %add3A_304 = arith.addi %add3A_202, %add3A_303 : i32
        %mul3A_305 = arith.constant 16 : i32
        %mul3A_306 = arith.muli %add3A_304, %mul3A_305 : i32
        %add3A_307 = arith.addi %mul3A_2, %mul3A_306 : i32
        "tpu.region"() ({
          %run_scoped3A = tpu.sem_alloc : memref<!tpu.dma_semaphore, #tpu.memory_space<semaphore_mem>>
          %dma_start3A_314 = tpu.memref_slice %arg2[%add3A_307] : memref<3276800xi32, #tpu.memory_space<hbm>> -> memref<10240xi32, #tpu.memory_space<hbm>>
          %dma_start3A_315 = tpu.memref_slice %arg2[%add3A_307] : memref<3276800xi32, #tpu.memory_space<hbm>> -> memref<10240xi32, #tpu.memory_space<hbm>>
          tpu.enqueue_dma source(%dma_start3A_315 : memref<10240xi32, #tpu.memory_space<hbm>>) target(%arg5 : memref<10240xi32, #tpu.memory_space<vmem>>) target_semaphore(%run_scoped3A : memref<!tpu.dma_semaphore, #tpu.memory_space<semaphore_mem>>)
          %dma_wait3A_316 = tpu.memref_slice %arg2[%add3A_307] : memref<3276800xi32, #tpu.memory_space<hbm>> -> memref<10240xi32, #tpu.memory_space<hbm>>
          %dma_wait3A_317 = tpu.memref_slice %arg2[%add3A_307] : memref<3276800xi32, #tpu.memory_space<hbm>> -> memref<10240xi32, #tpu.memory_space<hbm>>
          tpu.wait_dma2 semaphore(%run_scoped3A : memref<!tpu.dma_semaphore, #tpu.memory_space<semaphore_mem>>) src(%dma_wait3A_317 : memref<10240xi32, #tpu.memory_space<hbm>>) dst(%arg5 : memref<10240xi32, #tpu.memory_space<vmem>>)
          tpu.yield
        }) : () -> ()
        %scan3A_308 = arith.constant 0 : i32
        %scan3A_309 = arith.constant 0 : i32
        %scan3A_310 = arith.constant 640 : i32
        %scan3A_311 = arith.addi %scan3A_309, %scan3A_310 : i32
        %scan3A_312 = arith.constant 1 : i32
        scf.for %scan3A_314 = %scan3A_309 to %scan3A_311 step %scan3A_312  : i32 {
          %mul3A_315 = arith.constant 16 : i32
          %mul3A_316 = arith.muli %scan3A_314, %mul3A_315 : i32
          %get3A = arith.index_cast %mul3A_316 : i32 to index
          %get3A_317 = tpu.vector_load %arg5[%get3A] {strides = array<i32>} : memref<10240xi32, #tpu.memory_space<vmem>>, vector<16xi32>,
          %get3A_318 = vector.shape_cast %get3A_317 : vector<16xi32> to vector<16xi32>
          %add3A_319 = arith.addi %get3A_318, %broadcast_in_dim3A : vector<16xi32>
          %mul3A_320 = arith.constant 16 : i32
          %mul3A_321 = arith.muli %scan3A_314, %mul3A_320 : i32
          %swap3A = arith.index_cast %mul3A_321 : i32 to index
          %swap3A_322 = tpu.vector_load %arg5[%swap3A] {strides = array<i32>} : memref<10240xi32, #tpu.memory_space<vmem>>, vector<16xi32>,
          %swap3A_323 = vector.shape_cast %swap3A_322 : vector<16xi32> to vector<16xi32>
          %swap3A_324 = vector.shape_cast %add3A_319 : vector<16xi32> to vector<16xi32>
          tpu.vector_store %arg5[%swap3A], %swap3A_324 {strides = array<i32>} : memref<10240xi32, #tpu.memory_space<vmem>>, vector<16xi32>,
        }
        %scan3A_313 = arith.constant 640 : i32
      } else {
      }
      %add3A_225 = arith.constant 1 : i32
      %add3A_226 = arith.addi %add3A_202, %add3A_225 : i32
      %lt3A_227 = arith.constant 6400 : i32
      %lt3A_228 = arith.cmpi slt, %add3A_226, %lt3A_227 : i32
      %convert_element_type3A_229 = arith.extui %lt3A_228 : i1 to i32
      %cond3A_230 = arith.constant 0 : i32
      %cond3A_231 = arith.cmpi ne, %convert_element_type3A_229, %cond3A_230 : i32
      scf.if %cond3A_231 {
        %add3A_303 = arith.constant 1 : i32
        %add3A_304 = arith.addi %add3A_202, %add3A_303 : i32
        %ge3A = arith.constant 4 : i32
        %ge3A_305 = arith.cmpi sge, %add3A_304, %ge3A : i32
        %convert_element_type3A_306 = arith.extui %ge3A_305 : i1 to i32
        %cond3A_307 = arith.constant 0 : i32
        %cond3A_308 = arith.cmpi ne, %convert_element_type3A_306, %cond3A_307 : i32
        scf.if %cond3A_308 {
          %dma_wait3A_327 = arith.constant 3 : i32
          %dma_wait3A_328 = arith.constant 3 : i32
          %dma_wait3A_329 = arith.constant 0 : i32
          %dma_wait3A_330 = arith.constant 0 : i32
          %dma_wait3A_331 = tpu.memref_slice %arg6[%dma_wait3A_327, %dma_wait3A_329, %dma_wait3A_330] : memref<4x16x1024xf32, #tpu.memory_space<vmem>> -> memref<1x16x1024xf32, #tpu.memory_space<vmem>>
          %dma_wait3A_332 = tpu.memref_squeeze %dma_wait3A_331 : memref<1x16x1024xf32, #tpu.memory_space<vmem>> -> memref<16x1024xf32, #tpu.memory_space<vmem>>
          %dma_wait3A_333 = arith.constant 0 : i32
          %dma_wait3A_334 = arith.constant 0 : i32
          %dma_wait3A_335 = tpu.memref_slice %arg4[%dma_wait3A_333, %dma_wait3A_334] : memref<3276800x1024xf32, #tpu.memory_space<hbm>> -> memref<16x1024xf32, #tpu.memory_space<hbm>>
          %dma_wait3A_336 = tpu.memref_slice %arg8[%dma_wait3A_328] : memref<4x!tpu.dma_semaphore, #tpu.memory_space<semaphore_mem>> -> memref<1x!tpu.dma_semaphore, #tpu.memory_space<semaphore_mem>>
          %dma_wait3A_337 = tpu.memref_squeeze %dma_wait3A_336 : memref<1x!tpu.dma_semaphore, #tpu.memory_space<semaphore_mem>> -> memref<!tpu.dma_semaphore, #tpu.memory_space<semaphore_mem>>
          %dma_wait3A_338 = arith.constant 0 : i32
          %dma_wait3A_339 = arith.constant 0 : i32
          %dma_wait3A_340 = tpu.memref_slice %arg4[%dma_wait3A_338, %dma_wait3A_339] : memref<3276800x1024xf32, #tpu.memory_space<hbm>> -> memref<16x1024xf32, #tpu.memory_space<hbm>>
          %dma_wait3A_341 = arith.constant 0 : i32
          %dma_wait3A_342 = arith.constant 0 : i32
          %dma_wait3A_343 = tpu.memref_slice %arg6[%dma_wait3A_327, %dma_wait3A_341, %dma_wait3A_342] : memref<4x16x1024xf32, #tpu.memory_space<vmem>> -> memref<1x16x1024xf32, #tpu.memory_space<vmem>>
          %dma_wait3A_344 = tpu.memref_squeeze %dma_wait3A_343 : memref<1x16x1024xf32, #tpu.memory_space<vmem>> -> memref<16x1024xf32, #tpu.memory_space<vmem>>
          tpu.wait_dma2 semaphore(%dma_wait3A_337 : memref<!tpu.dma_semaphore, #tpu.memory_space<semaphore_mem>>) src(%dma_wait3A_344 : memref<16x1024xf32, #tpu.memory_space<vmem>>) dst(%dma_wait3A_340 : memref<16x1024xf32, #tpu.memory_space<hbm>>)
        } else {
        }
        %add3A_309 = arith.constant 1 : i32
        %add3A_310 = arith.addi %add3A_202, %add3A_309 : i32
        %mul3A_311 = arith.constant 16 : i32
        %mul3A_312 = arith.muli %add3A_310, %mul3A_311 : i32
        %rem3A_313 = arith.constant 10240 : i32
        %rem3A_314 = arith.remsi %mul3A_312, %rem3A_313 : i32
        %dma_start3A_315 = arith.constant 3 : i32
        %dma_start3A_316 = arith.constant 3 : i32
        %dma_start3A_317 = arith.constant 0 : i32
        %dma_start3A_318 = arith.constant 0 : i32
        %dma_start3A_319 = tpu.memref_slice %arg6[%dma_start3A_315, %dma_start3A_317, %dma_start3A_318] : memref<4x16x1024xf32, #tpu.memory_space<vmem>> -> memref<1x16x1024xf32, #tpu.memory_space<vmem>>
        %dma_start3A_320 = tpu.memref_squeeze %dma_start3A_319 : memref<1x16x1024xf32, #tpu.memory_space<vmem>> -> memref<16x1024xf32, #tpu.memory_space<vmem>>
        %dma_start3A_321 = tpu.memref_slice %arg5[%rem3A_314] : memref<10240xi32, #tpu.memory_space<vmem>> -> memref<16xi32, #tpu.memory_space<vmem>>
        %dma_start3A_322 = arith.constant 0 : i32
        %dma_start3A_323 = arith.constant 0 : i32
        %dma_start3A_324 = tpu.memref_slice %arg3[%dma_start3A_322, %dma_start3A_323] : memref<64x1024xf32, #tpu.memory_space<hbm>> -> memref<64x1024xf32, #tpu.memory_space<hbm>>
        %dma_start3A_325 = tpu.memref_slice %arg7[%dma_start3A_316] : memref<4x!tpu.dma_semaphore, #tpu.memory_space<semaphore_mem>> -> memref<1x!tpu.dma_semaphore, #tpu.memory_space<semaphore_mem>>
        %dma_start3A_326 = tpu.memref_squeeze %dma_start3A_325 : memref<1x!tpu.dma_semaphore, #tpu.memory_space<semaphore_mem>> -> memref<!tpu.dma_semaphore, #tpu.memory_space<semaphore_mem>>
        tpu.enqueue_indirect_dma source(%dma_start3A_324 : memref<64x1024xf32, #tpu.memory_space<hbm>>) target(%dma_start3A_320 : memref<16x1024xf32, #tpu.memory_space<vmem>>) offsets(%dma_start3A_321 : memref<16xi32, #tpu.memory_space<vmem>>) semaphore(%dma_start3A_326 : memref<!tpu.dma_semaphore, #tpu.memory_space<semaphore_mem>>)
      } else {
      }
      %mul3A_232 = arith.constant 16 : i32
      %mul3A_233 = arith.muli %add3A_202, %mul3A_232 : i32
      %add3A_234 = arith.addi %mul3A_2, %mul3A_233 : i32
      %dma_start3A_235 = arith.constant 2 : i32
      %dma_start3A_236 = arith.constant 2 : i32
      %dma_start3A_237 = arith.constant 0 : i32
      %dma_start3A_238 = arith.constant 0 : i32
      %dma_start3A_239 = tpu.memref_slice %arg6[%dma_start3A_235, %dma_start3A_237, %dma_start3A_238] : memref<4x16x1024xf32, #tpu.memory_space<vmem>> -> memref<1x16x1024xf32, #tpu.memory_space<vmem>>
      %dma_start3A_240 = tpu.memref_squeeze %dma_start3A_239 : memref<1x16x1024xf32, #tpu.memory_space<vmem>> -> memref<16x1024xf32, #tpu.memory_space<vmem>>
      %dma_start3A_241 = arith.constant 0 : i32
      %dma_start3A_242 = tpu.memref_slice %arg4[%add3A_234, %dma_start3A_241] : memref<3276800x1024xf32, #tpu.memory_space<hbm>> -> memref<16x1024xf32, #tpu.memory_space<hbm>>
      %dma_start3A_243 = tpu.memref_slice %arg8[%dma_start3A_236] : memref<4x!tpu.dma_semaphore, #tpu.memory_space<semaphore_mem>> -> memref<1x!tpu.dma_semaphore, #tpu.memory_space<semaphore_mem>>
      %dma_start3A_244 = tpu.memref_squeeze %dma_start3A_243 : memref<1x!tpu.dma_semaphore, #tpu.memory_space<semaphore_mem>> -> memref<!tpu.dma_semaphore, #tpu.memory_space<semaphore_mem>>
      %dma_start3A_245 = arith.constant 0 : i32
      %dma_start3A_246 = tpu.memref_slice %arg4[%add3A_234, %dma_start3A_245] : memref<3276800x1024xf32, #tpu.memory_space<hbm>> -> memref<16x1024xf32, #tpu.memory_space<hbm>>
      %dma_start3A_247 = arith.constant 0 : i32
      %dma_start3A_248 = arith.constant 0 : i32
      %dma_start3A_249 = tpu.memref_slice %arg6[%dma_start3A_235, %dma_start3A_247, %dma_start3A_248] : memref<4x16x1024xf32, #tpu.memory_space<vmem>> -> memref<1x16x1024xf32, #tpu.memory_space<vmem>>
      %dma_start3A_250 = tpu.memref_squeeze %dma_start3A_249 : memref<1x16x1024xf32, #tpu.memory_space<vmem>> -> memref<16x1024xf32, #tpu.memory_space<vmem>>
      tpu.enqueue_dma source(%dma_start3A_250 : memref<16x1024xf32, #tpu.memory_space<vmem>>) target(%dma_start3A_246 : memref<16x1024xf32, #tpu.memory_space<hbm>>) target_semaphore(%dma_start3A_244 : memref<!tpu.dma_semaphore, #tpu.memory_space<semaphore_mem>>)
      %mul3A_251 = arith.constant 4 : i32
      %mul3A_252 = arith.muli %scan3A_99, %mul3A_251 : i32
      %add3A_253 = arith.constant 3 : i32
      %add3A_254 = arith.addi %mul3A_252, %add3A_253 : i32
      %dma_wait3A_255 = arith.constant 3 : i32
      %dma_wait3A_256 = arith.constant 3 : i32
      %dma_wait3A_257 = arith.constant 0 : i32
      %dma_wait3A_258 = arith.constant 0 : i32
      %dma_wait3A_259 = tpu.memref_slice %arg6[%dma_wait3A_255, %dma_wait3A_257, %dma_wait3A_258] : memref<4x16x1024xf32, #tpu.memory_space<vmem>> -> memref<1x16x1024xf32, #tpu.memory_space<vmem>>
      %dma_wait3A_260 = tpu.memref_squeeze %dma_wait3A_259 : memref<1x16x1024xf32, #tpu.memory_space<vmem>> -> memref<16x1024xf32, #tpu.memory_space<vmem>>
      %dma_wait3A_261 = arith.constant 0 : i32
      %dma_wait3A_262 = tpu.memref_slice %arg5[%dma_wait3A_261] : memref<10240xi32, #tpu.memory_space<vmem>> -> memref<16xi32, #tpu.memory_space<vmem>>
      %dma_wait3A_263 = arith.constant 0 : i32
      %dma_wait3A_264 = arith.constant 0 : i32
      %dma_wait3A_265 = tpu.memref_slice %arg3[%dma_wait3A_263, %dma_wait3A_264] : memref<64x1024xf32, #tpu.memory_space<hbm>> -> memref<64x1024xf32, #tpu.memory_space<hbm>>
      %dma_wait3A_266 = tpu.memref_slice %arg7[%dma_wait3A_256] : memref<4x!tpu.dma_semaphore, #tpu.memory_space<semaphore_mem>> -> memref<1x!tpu.dma_semaphore, #tpu.memory_space<semaphore_mem>>
      %dma_wait3A_267 = tpu.memref_squeeze %dma_wait3A_266 : memref<1x!tpu.dma_semaphore, #tpu.memory_space<semaphore_mem>> -> memref<!tpu.dma_semaphore, #tpu.memory_space<semaphore_mem>>
      tpu.wait_indirect_dma semaphore(%dma_wait3A_267 : memref<!tpu.dma_semaphore, #tpu.memory_space<semaphore_mem>>) src(%dma_wait3A_265 : memref<64x1024xf32, #tpu.memory_space<hbm>>) dst(%dma_wait3A_260 : memref<16x1024xf32, #tpu.memory_space<vmem>>)
      %add3A_268 = arith.constant 1 : i32
      %add3A_269 = arith.addi %add3A_254, %add3A_268 : i32
      %rem3A_270 = arith.constant 640 : i32
      %rem3A_271 = arith.remsi %add3A_269, %rem3A_270 : i32
      %eq3A_272 = arith.constant 0 : i32
      %eq3A_273 = arith.cmpi eq, %rem3A_271, %eq3A_272 : i32
      %convert_element_type3A_274 = arith.extui %eq3A_273 : i1 to i32
      %cond3A_275 = arith.constant 0 : i32
      %cond3A_276 = arith.cmpi ne, %convert_element_type3A_274, %cond3A_275 : i32
      scf.if %cond3A_276 {
        %add3A_303 = arith.constant 1 : i32
        %add3A_304 = arith.addi %add3A_254, %add3A_303 : i32
        %mul3A_305 = arith.constant 16 : i32
        %mul3A_306 = arith.muli %add3A_304, %mul3A_305 : i32
        %add3A_307 = arith.addi %mul3A_2, %mul3A_306 : i32
        "tpu.region"() ({
          %run_scoped3A = tpu.sem_alloc : memref<!tpu.dma_semaphore, #tpu.memory_space<semaphore_mem>>
          %dma_start3A_314 = tpu.memref_slice %arg2[%add3A_307] : memref<3276800xi32, #tpu.memory_space<hbm>> -> memref<10240xi32, #tpu.memory_space<hbm>>
          %dma_start3A_315 = tpu.memref_slice %arg2[%add3A_307] : memref<3276800xi32, #tpu.memory_space<hbm>> -> memref<10240xi32, #tpu.memory_space<hbm>>
          tpu.enqueue_dma source(%dma_start3A_315 : memref<10240xi32, #tpu.memory_space<hbm>>) target(%arg5 : memref<10240xi32, #tpu.memory_space<vmem>>) target_semaphore(%run_scoped3A : memref<!tpu.dma_semaphore, #tpu.memory_space<semaphore_mem>>)
          %dma_wait3A_316 = tpu.memref_slice %arg2[%add3A_307] : memref<3276800xi32, #tpu.memory_space<hbm>> -> memref<10240xi32, #tpu.memory_space<hbm>>
          %dma_wait3A_317 = tpu.memref_slice %arg2[%add3A_307] : memref<3276800xi32, #tpu.memory_space<hbm>> -> memref<10240xi32, #tpu.memory_space<hbm>>
          tpu.wait_dma2 semaphore(%run_scoped3A : memref<!tpu.dma_semaphore, #tpu.memory_space<semaphore_mem>>) src(%dma_wait3A_317 : memref<10240xi32, #tpu.memory_space<hbm>>) dst(%arg5 : memref<10240xi32, #tpu.memory_space<vmem>>)
          tpu.yield
        }) : () -> ()
        %scan3A_308 = arith.constant 0 : i32
        %scan3A_309 = arith.constant 0 : i32
        %scan3A_310 = arith.constant 640 : i32
        %scan3A_311 = arith.addi %scan3A_309, %scan3A_310 : i32
        %scan3A_312 = arith.constant 1 : i32
        scf.for %scan3A_314 = %scan3A_309 to %scan3A_311 step %scan3A_312  : i32 {
          %mul3A_315 = arith.constant 16 : i32
          %mul3A_316 = arith.muli %scan3A_314, %mul3A_315 : i32
          %get3A = arith.index_cast %mul3A_316 : i32 to index
          %get3A_317 = tpu.vector_load %arg5[%get3A] {strides = array<i32>} : memref<10240xi32, #tpu.memory_space<vmem>>, vector<16xi32>,
          %get3A_318 = vector.shape_cast %get3A_317 : vector<16xi32> to vector<16xi32>
          %add3A_319 = arith.addi %get3A_318, %broadcast_in_dim3A : vector<16xi32>
          %mul3A_320 = arith.constant 16 : i32
          %mul3A_321 = arith.muli %scan3A_314, %mul3A_320 : i32
          %swap3A = arith.index_cast %mul3A_321 : i32 to index
          %swap3A_322 = tpu.vector_load %arg5[%swap3A] {strides = array<i32>} : memref<10240xi32, #tpu.memory_space<vmem>>, vector<16xi32>,
          %swap3A_323 = vector.shape_cast %swap3A_322 : vector<16xi32> to vector<16xi32>
          %swap3A_324 = vector.shape_cast %add3A_319 : vector<16xi32> to vector<16xi32>
          tpu.vector_store %arg5[%swap3A], %swap3A_324 {strides = array<i32>} : memref<10240xi32, #tpu.memory_space<vmem>>, vector<16xi32>,
        }
        %scan3A_313 = arith.constant 640 : i32
      } else {
      }
      %add3A_277 = arith.constant 1 : i32
      %add3A_278 = arith.addi %add3A_254, %add3A_277 : i32
      %lt3A_279 = arith.constant 6400 : i32
      %lt3A_280 = arith.cmpi slt, %add3A_278, %lt3A_279 : i32
      %convert_element_type3A_281 = arith.extui %lt3A_280 : i1 to i32
      %cond3A_282 = arith.constant 0 : i32
      %cond3A_283 = arith.cmpi ne, %convert_element_type3A_281, %cond3A_282 : i32
      scf.if %cond3A_283 {
        %add3A_303 = arith.constant 1 : i32
        %add3A_304 = arith.addi %add3A_254, %add3A_303 : i32
        %ge3A = arith.constant 4 : i32
        %ge3A_305 = arith.cmpi sge, %add3A_304, %ge3A : i32
        %convert_element_type3A_306 = arith.extui %ge3A_305 : i1 to i32
        %cond3A_307 = arith.constant 0 : i32
        %cond3A_308 = arith.cmpi ne, %convert_element_type3A_306, %cond3A_307 : i32
        scf.if %cond3A_308 {
          %dma_wait3A_327 = arith.constant 0 : i32
          %dma_wait3A_328 = arith.constant 0 : i32
          %dma_wait3A_329 = arith.constant 0 : i32
          %dma_wait3A_330 = arith.constant 0 : i32
          %dma_wait3A_331 = tpu.memref_slice %arg6[%dma_wait3A_327, %dma_wait3A_329, %dma_wait3A_330] : memref<4x16x1024xf32, #tpu.memory_space<vmem>> -> memref<1x16x1024xf32, #tpu.memory_space<vmem>>
          %dma_wait3A_332 = tpu.memref_squeeze %dma_wait3A_331 : memref<1x16x1024xf32, #tpu.memory_space<vmem>> -> memref<16x1024xf32, #tpu.memory_space<vmem>>
          %dma_wait3A_333 = arith.constant 0 : i32
          %dma_wait3A_334 = arith.constant 0 : i32
          %dma_wait3A_335 = tpu.memref_slice %arg4[%dma_wait3A_333, %dma_wait3A_334] : memref<3276800x1024xf32, #tpu.memory_space<hbm>> -> memref<16x1024xf32, #tpu.memory_space<hbm>>
          %dma_wait3A_336 = tpu.memref_slice %arg8[%dma_wait3A_328] : memref<4x!tpu.dma_semaphore, #tpu.memory_space<semaphore_mem>> -> memref<1x!tpu.dma_semaphore, #tpu.memory_space<semaphore_mem>>
          %dma_wait3A_337 = tpu.memref_squeeze %dma_wait3A_336 : memref<1x!tpu.dma_semaphore, #tpu.memory_space<semaphore_mem>> -> memref<!tpu.dma_semaphore, #tpu.memory_space<semaphore_mem>>
          %dma_wait3A_338 = arith.constant 0 : i32
          %dma_wait3A_339 = arith.constant 0 : i32
          %dma_wait3A_340 = tpu.memref_slice %arg4[%dma_wait3A_338, %dma_wait3A_339] : memref<3276800x1024xf32, #tpu.memory_space<hbm>> -> memref<16x1024xf32, #tpu.memory_space<hbm>>
          %dma_wait3A_341 = arith.constant 0 : i32
          %dma_wait3A_342 = arith.constant 0 : i32
          %dma_wait3A_343 = tpu.memref_slice %arg6[%dma_wait3A_327, %dma_wait3A_341, %dma_wait3A_342] : memref<4x16x1024xf32, #tpu.memory_space<vmem>> -> memref<1x16x1024xf32, #tpu.memory_space<vmem>>
          %dma_wait3A_344 = tpu.memref_squeeze %dma_wait3A_343 : memref<1x16x1024xf32, #tpu.memory_space<vmem>> -> memref<16x1024xf32, #tpu.memory_space<vmem>>
          tpu.wait_dma2 semaphore(%dma_wait3A_337 : memref<!tpu.dma_semaphore, #tpu.memory_space<semaphore_mem>>) src(%dma_wait3A_344 : memref<16x1024xf32, #tpu.memory_space<vmem>>) dst(%dma_wait3A_340 : memref<16x1024xf32, #tpu.memory_space<hbm>>)
        } else {
        }
        %add3A_309 = arith.constant 1 : i32
        %add3A_310 = arith.addi %add3A_254, %add3A_309 : i32
        %mul3A_311 = arith.constant 16 : i32
        %mul3A_312 = arith.muli %add3A_310, %mul3A_311 : i32
        %rem3A_313 = arith.constant 10240 : i32
        %rem3A_314 = arith.remsi %mul3A_312, %rem3A_313 : i32
        %dma_start3A_315 = arith.constant 0 : i32
        %dma_start3A_316 = arith.constant 0 : i32
        %dma_start3A_317 = arith.constant 0 : i32
        %dma_start3A_318 = arith.constant 0 : i32
        %dma_start3A_319 = tpu.memref_slice %arg6[%dma_start3A_315, %dma_start3A_317, %dma_start3A_318] : memref<4x16x1024xf32, #tpu.memory_space<vmem>> -> memref<1x16x1024xf32, #tpu.memory_space<vmem>>
        %dma_start3A_320 = tpu.memref_squeeze %dma_start3A_319 : memref<1x16x1024xf32, #tpu.memory_space<vmem>> -> memref<16x1024xf32, #tpu.memory_space<vmem>>
        %dma_start3A_321 = tpu.memref_slice %arg5[%rem3A_314] : memref<10240xi32, #tpu.memory_space<vmem>> -> memref<16xi32, #tpu.memory_space<vmem>>
        %dma_start3A_322 = arith.constant 0 : i32
        %dma_start3A_323 = arith.constant 0 : i32
        %dma_start3A_324 = tpu.memref_slice %arg3[%dma_start3A_322, %dma_start3A_323] : memref<64x1024xf32, #tpu.memory_space<hbm>> -> memref<64x1024xf32, #tpu.memory_space<hbm>>
        %dma_start3A_325 = tpu.memref_slice %arg7[%dma_start3A_316] : memref<4x!tpu.dma_semaphore, #tpu.memory_space<semaphore_mem>> -> memref<1x!tpu.dma_semaphore, #tpu.memory_space<semaphore_mem>>
        %dma_start3A_326 = tpu.memref_squeeze %dma_start3A_325 : memref<1x!tpu.dma_semaphore, #tpu.memory_space<semaphore_mem>> -> memref<!tpu.dma_semaphore, #tpu.memory_space<semaphore_mem>>
        tpu.enqueue_indirect_dma source(%dma_start3A_324 : memref<64x1024xf32, #tpu.memory_space<hbm>>) target(%dma_start3A_320 : memref<16x1024xf32, #tpu.memory_space<vmem>>) offsets(%dma_start3A_321 : memref<16xi32, #tpu.memory_space<vmem>>) semaphore(%dma_start3A_326 : memref<!tpu.dma_semaphore, #tpu.memory_space<semaphore_mem>>)
      } else {
      }
      %mul3A_284 = arith.constant 16 : i32
      %mul3A_285 = arith.muli %add3A_254, %mul3A_284 : i32
      %add3A_286 = arith.addi %mul3A_2, %mul3A_285 : i32
      %dma_start3A_287 = arith.constant 3 : i32
      %dma_start3A_288 = arith.constant 3 : i32
      %dma_start3A_289 = arith.constant 0 : i32
      %dma_start3A_290 = arith.constant 0 : i32
      %dma_start3A_291 = tpu.memref_slice %arg6[%dma_start3A_287, %dma_start3A_289, %dma_start3A_290] : memref<4x16x1024xf32, #tpu.memory_space<vmem>> -> memref<1x16x1024xf32, #tpu.memory_space<vmem>>
      %dma_start3A_292 = tpu.memref_squeeze %dma_start3A_291 : memref<1x16x1024xf32, #tpu.memory_space<vmem>> -> memref<16x1024xf32, #tpu.memory_space<vmem>>
      %dma_start3A_293 = arith.constant 0 : i32
      %dma_start3A_294 = tpu.memref_slice %arg4[%add3A_286, %dma_start3A_293] : memref<3276800x1024xf32, #tpu.memory_space<hbm>> -> memref<16x1024xf32, #tpu.memory_space<hbm>>
      %dma_start3A_295 = tpu.memref_slice %arg8[%dma_start3A_288] : memref<4x!tpu.dma_semaphore, #tpu.memory_space<semaphore_mem>> -> memref<1x!tpu.dma_semaphore, #tpu.memory_space<semaphore_mem>>
      %dma_start3A_296 = tpu.memref_squeeze %dma_start3A_295 : memref<1x!tpu.dma_semaphore, #tpu.memory_space<semaphore_mem>> -> memref<!tpu.dma_semaphore, #tpu.memory_space<semaphore_mem>>
      %dma_start3A_297 = arith.constant 0 : i32
      %dma_start3A_298 = tpu.memref_slice %arg4[%add3A_286, %dma_start3A_297] : memref<3276800x1024xf32, #tpu.memory_space<hbm>> -> memref<16x1024xf32, #tpu.memory_space<hbm>>
      %dma_start3A_299 = arith.constant 0 : i32
      %dma_start3A_300 = arith.constant 0 : i32
      %dma_start3A_301 = tpu.memref_slice %arg6[%dma_start3A_287, %dma_start3A_299, %dma_start3A_300] : memref<4x16x1024xf32, #tpu.memory_space<vmem>> -> memref<1x16x1024xf32, #tpu.memory_space<vmem>>
      %dma_start3A_302 = tpu.memref_squeeze %dma_start3A_301 : memref<1x16x1024xf32, #tpu.memory_space<vmem>> -> memref<16x1024xf32, #tpu.memory_space<vmem>>
      tpu.enqueue_dma source(%dma_start3A_302 : memref<16x1024xf32, #tpu.memory_space<vmem>>) target(%dma_start3A_298 : memref<16x1024xf32, #tpu.memory_space<hbm>>) target_semaphore(%dma_start3A_296 : memref<!tpu.dma_semaphore, #tpu.memory_space<semaphore_mem>>)
    }
    %scan3A_27 = arith.constant 1600 : i32
    %dma_wait3A = arith.constant 0 : i32
    %dma_wait3A_28 = arith.constant 0 : i32
    %dma_wait3A_29 = arith.constant 0 : i32
    %dma_wait3A_30 = arith.constant 0 : i32
    %dma_wait3A_31 = tpu.memref_slice %arg6[%dma_wait3A, %dma_wait3A_29, %dma_wait3A_30] : memref<4x16x1024xf32, #tpu.memory_space<vmem>> -> memref<1x16x1024xf32, #tpu.memory_space<vmem>>
    %dma_wait3A_32 = tpu.memref_squeeze %dma_wait3A_31 : memref<1x16x1024xf32, #tpu.memory_space<vmem>> -> memref<16x1024xf32, #tpu.memory_space<vmem>>
    %dma_wait3A_33 = arith.constant 0 : i32
    %dma_wait3A_34 = arith.constant 0 : i32
    %dma_wait3A_35 = tpu.memref_slice %arg4[%dma_wait3A_33, %dma_wait3A_34] : memref<3276800x1024xf32, #tpu.memory_space<hbm>> -> memref<16x1024xf32, #tpu.memory_space<hbm>>
    %dma_wait3A_36 = tpu.memref_slice %arg8[%dma_wait3A_28] : memref<4x!tpu.dma_semaphore, #tpu.memory_space<semaphore_mem>> -> memref<1x!tpu.dma_semaphore, #tpu.memory_space<semaphore_mem>>
    %dma_wait3A_37 = tpu.memref_squeeze %dma_wait3A_36 : memref<1x!tpu.dma_semaphore, #tpu.memory_space<semaphore_mem>> -> memref<!tpu.dma_semaphore, #tpu.memory_space<semaphore_mem>>
    %dma_wait3A_38 = arith.constant 0 : i32
    %dma_wait3A_39 = arith.constant 0 : i32
    %dma_wait3A_40 = tpu.memref_slice %arg4[%dma_wait3A_38, %dma_wait3A_39] : memref<3276800x1024xf32, #tpu.memory_space<hbm>> -> memref<16x1024xf32, #tpu.memory_space<hbm>>
    %dma_wait3A_41 = arith.constant 0 : i32
    %dma_wait3A_42 = arith.constant 0 : i32
    %dma_wait3A_43 = tpu.memref_slice %arg6[%dma_wait3A, %dma_wait3A_41, %dma_wait3A_42] : memref<4x16x1024xf32, #tpu.memory_space<vmem>> -> memref<1x16x1024xf32, #tpu.memory_space<vmem>>
    %dma_wait3A_44 = tpu.memref_squeeze %dma_wait3A_43 : memref<1x16x1024xf32, #tpu.memory_space<vmem>> -> memref<16x1024xf32, #tpu.memory_space<vmem>>
    tpu.wait_dma2 semaphore(%dma_wait3A_37 : memref<!tpu.dma_semaphore, #tpu.memory_space<semaphore_mem>>) src(%dma_wait3A_44 : memref<16x1024xf32, #tpu.memory_space<vmem>>) dst(%dma_wait3A_40 : memref<16x1024xf32, #tpu.memory_space<hbm>>)
    %dma_wait3A_45 = arith.constant 1 : i32
    %dma_wait3A_46 = arith.constant 1 : i32
    %dma_wait3A_47 = arith.constant 0 : i32
    %dma_wait3A_48 = arith.constant 0 : i32
    %dma_wait3A_49 = tpu.memref_slice %arg6[%dma_wait3A_45, %dma_wait3A_47, %dma_wait3A_48] : memref<4x16x1024xf32, #tpu.memory_space<vmem>> -> memref<1x16x1024xf32, #tpu.memory_space<vmem>>
    %dma_wait3A_50 = tpu.memref_squeeze %dma_wait3A_49 : memref<1x16x1024xf32, #tpu.memory_space<vmem>> -> memref<16x1024xf32, #tpu.memory_space<vmem>>
    %dma_wait3A_51 = arith.constant 0 : i32
    %dma_wait3A_52 = arith.constant 0 : i32
    %dma_wait3A_53 = tpu.memref_slice %arg4[%dma_wait3A_51, %dma_wait3A_52] : memref<3276800x1024xf32, #tpu.memory_space<hbm>> -> memref<16x1024xf32, #tpu.memory_space<hbm>>
    %dma_wait3A_54 = tpu.memref_slice %arg8[%dma_wait3A_46] : memref<4x!tpu.dma_semaphore, #tpu.memory_space<semaphore_mem>> -> memref<1x!tpu.dma_semaphore, #tpu.memory_space<semaphore_mem>>
    %dma_wait3A_55 = tpu.memref_squeeze %dma_wait3A_54 : memref<1x!tpu.dma_semaphore, #tpu.memory_space<semaphore_mem>> -> memref<!tpu.dma_semaphore, #tpu.memory_space<semaphore_mem>>
    %dma_wait3A_56 = arith.constant 0 : i32
    %dma_wait3A_57 = arith.constant 0 : i32
    %dma_wait3A_58 = tpu.memref_slice %arg4[%dma_wait3A_56, %dma_wait3A_57] : memref<3276800x1024xf32, #tpu.memory_space<hbm>> -> memref<16x1024xf32, #tpu.memory_space<hbm>>
    %dma_wait3A_59 = arith.constant 0 : i32
    %dma_wait3A_60 = arith.constant 0 : i32
    %dma_wait3A_61 = tpu.memref_slice %arg6[%dma_wait3A_45, %dma_wait3A_59, %dma_wait3A_60] : memref<4x16x1024xf32, #tpu.memory_space<vmem>> -> memref<1x16x1024xf32, #tpu.memory_space<vmem>>
    %dma_wait3A_62 = tpu.memref_squeeze %dma_wait3A_61 : memref<1x16x1024xf32, #tpu.memory_space<vmem>> -> memref<16x1024xf32, #tpu.memory_space<vmem>>
    tpu.wait_dma2 semaphore(%dma_wait3A_55 : memref<!tpu.dma_semaphore, #tpu.memory_space<semaphore_mem>>) src(%dma_wait3A_62 : memref<16x1024xf32, #tpu.memory_space<vmem>>) dst(%dma_wait3A_58 : memref<16x1024xf32, #tpu.memory_space<hbm>>)
    %dma_wait3A_63 = arith.constant 2 : i32
    %dma_wait3A_64 = arith.constant 2 : i32
    %dma_wait3A_65 = arith.constant 0 : i32
    %dma_wait3A_66 = arith.constant 0 : i32
    %dma_wait3A_67 = tpu.memref_slice %arg6[%dma_wait3A_63, %dma_wait3A_65, %dma_wait3A_66] : memref<4x16x1024xf32, #tpu.memory_space<vmem>> -> memref<1x16x1024xf32, #tpu.memory_space<vmem>>
    %dma_wait3A_68 = tpu.memref_squeeze %dma_wait3A_67 : memref<1x16x1024xf32, #tpu.memory_space<vmem>> -> memref<16x1024xf32, #tpu.memory_space<vmem>>
    %dma_wait3A_69 = arith.constant 0 : i32
    %dma_wait3A_70 = arith.constant 0 : i32
    %dma_wait3A_71 = tpu.memref_slice %arg4[%dma_wait3A_69, %dma_wait3A_70] : memref<3276800x1024xf32, #tpu.memory_space<hbm>> -> memref<16x1024xf32, #tpu.memory_space<hbm>>
    %dma_wait3A_72 = tpu.memref_slice %arg8[%dma_wait3A_64] : memref<4x!tpu.dma_semaphore, #tpu.memory_space<semaphore_mem>> -> memref<1x!tpu.dma_semaphore, #tpu.memory_space<semaphore_mem>>
    %dma_wait3A_73 = tpu.memref_squeeze %dma_wait3A_72 : memref<1x!tpu.dma_semaphore, #tpu.memory_space<semaphore_mem>> -> memref<!tpu.dma_semaphore, #tpu.memory_space<semaphore_mem>>
    %dma_wait3A_74 = arith.constant 0 : i32
    %dma_wait3A_75 = arith.constant 0 : i32
    %dma_wait3A_76 = tpu.memref_slice %arg4[%dma_wait3A_74, %dma_wait3A_75] : memref<3276800x1024xf32, #tpu.memory_space<hbm>> -> memref<16x1024xf32, #tpu.memory_space<hbm>>
    %dma_wait3A_77 = arith.constant 0 : i32
    %dma_wait3A_78 = arith.constant 0 : i32
    %dma_wait3A_79 = tpu.memref_slice %arg6[%dma_wait3A_63, %dma_wait3A_77, %dma_wait3A_78] : memref<4x16x1024xf32, #tpu.memory_space<vmem>> -> memref<1x16x1024xf32, #tpu.memory_space<vmem>>
    %dma_wait3A_80 = tpu.memref_squeeze %dma_wait3A_79 : memref<1x16x1024xf32, #tpu.memory_space<vmem>> -> memref<16x1024xf32, #tpu.memory_space<vmem>>
    tpu.wait_dma2 semaphore(%dma_wait3A_73 : memref<!tpu.dma_semaphore, #tpu.memory_space<semaphore_mem>>) src(%dma_wait3A_80 : memref<16x1024xf32, #tpu.memory_space<vmem>>) dst(%dma_wait3A_76 : memref<16x1024xf32, #tpu.memory_space<hbm>>)
    %dma_wait3A_81 = arith.constant 3 : i32
    %dma_wait3A_82 = arith.constant 3 : i32
    %dma_wait3A_83 = arith.constant 0 : i32
    %dma_wait3A_84 = arith.constant 0 : i32
    %dma_wait3A_85 = tpu.memref_slice %arg6[%dma_wait3A_81, %dma_wait3A_83, %dma_wait3A_84] : memref<4x16x1024xf32, #tpu.memory_space<vmem>> -> memref<1x16x1024xf32, #tpu.memory_space<vmem>>
    %dma_wait3A_86 = tpu.memref_squeeze %dma_wait3A_85 : memref<1x16x1024xf32, #tpu.memory_space<vmem>> -> memref<16x1024xf32, #tpu.memory_space<vmem>>
    %dma_wait3A_87 = arith.constant 0 : i32
    %dma_wait3A_88 = arith.constant 0 : i32
    %dma_wait3A_89 = tpu.memref_slice %arg4[%dma_wait3A_87, %dma_wait3A_88] : memref<3276800x1024xf32, #tpu.memory_space<hbm>> -> memref<16x1024xf32, #tpu.memory_space<hbm>>
    %dma_wait3A_90 = tpu.memref_slice %arg8[%dma_wait3A_82] : memref<4x!tpu.dma_semaphore, #tpu.memory_space<semaphore_mem>> -> memref<1x!tpu.dma_semaphore, #tpu.memory_space<semaphore_mem>>
    %dma_wait3A_91 = tpu.memref_squeeze %dma_wait3A_90 : memref<1x!tpu.dma_semaphore, #tpu.memory_space<semaphore_mem>> -> memref<!tpu.dma_semaphore, #tpu.memory_space<semaphore_mem>>
    %dma_wait3A_92 = arith.constant 0 : i32
    %dma_wait3A_93 = arith.constant 0 : i32
    %dma_wait3A_94 = tpu.memref_slice %arg4[%dma_wait3A_92, %dma_wait3A_93] : memref<3276800x1024xf32, #tpu.memory_space<hbm>> -> memref<16x1024xf32, #tpu.memory_space<hbm>>
    %dma_wait3A_95 = arith.constant 0 : i32
    %dma_wait3A_96 = arith.constant 0 : i32
    %dma_wait3A_97 = tpu.memref_slice %arg6[%dma_wait3A_81, %dma_wait3A_95, %dma_wait3A_96] : memref<4x16x1024xf32, #tpu.memory_space<vmem>> -> memref<1x16x1024xf32, #tpu.memory_space<vmem>>
    %dma_wait3A_98 = tpu.memref_squeeze %dma_wait3A_97 : memref<1x16x1024xf32, #tpu.memory_space<vmem>> -> memref<16x1024xf32, #tpu.memory_space<vmem>>
    tpu.wait_dma2 semaphore(%dma_wait3A_91 : memref<!tpu.dma_semaphore, #tpu.memory_space<semaphore_mem>>) src(%dma_wait3A_98 : memref<16x1024xf32, #tpu.memory_space<vmem>>) dst(%dma_wait3A_94 : memref<16x1024xf32, #tpu.memory_space<hbm>>)
    return
  }
}

</mosaic_0001>

<sc_bundles>
// kernel: kernel.3.cloned.1.call-start
scs
__scs_entry_jumppad:
0x0: {  	(pc) =	sbr.rel $0x88, $3  }
0x1: {  	(tag) =	ssettag $0x0;
	lr =	simm.s32 $0x1  }
0x2: {  	[smem:$0x3F9F] =	sst lr;
	_ =	strace $0xD0000000  }
0x3: {  	_ = 	snop  }
0x4: {  	_ = 	snop  }
0x5: {  	_ = 	snop  }
0x6: {  	_ = 	snop  }
0x7: {  	_ = 	snop  }
__scs_overlays_trampoline_lowered:
0x8: {  	[smem:$0x3FAE] =	sst s0  }
0x9: {  	[smem:$0x3FAF] =	sst s1  }
0xa: {  	[smem:$0x3FB0] =	sst s2  }
0xb: {  	[smem:$0x3FB1] =	sst s3  }
0xc: {  	[smem:$0x3FB2] =	sst s4  }
0xd: {  	[smem:$0x3FB3] =	sst s5  }
0xe: {  	[smem:$0x3FB4] =	sst s6  }
0xf: {  	[smem:$0x3FB5] =	sst s7  }
0x10: {  	[smem:$0x3FB6] =	sst s8  }
0x11: {  	[smem:$0x3FB7] =	sst s9;
	s0 =	simm.s32 @!p0 $0x0  }
0x12: {  	s1 =	sld [smem:$0x3F9D];
	s0 =	simm.s32 @p0 $0x1  }
0x13: {  	[smem:$0x3FB8] =	sst s0;
	s0 =	simm.s32 @!p1 $0x0  }
0x14: {  	s2 =	sld [smem:$0x3F9C];
	s0 =	simm.s32 @p1 $0x1  }
0x15: {  	[smem:$0x3FB9] =	sst s0;
	s0 =	simm.s32 @!p2 $0x0  }
0x16: {  	s3 =	sld [smem:$0x3FDB];
	s0 =	simm.s32 @p2 $0x1  }
0x17: {  	s4 =	simm.s32 $0x1BF5;
	[smem:$0x3FBB] =	sst s0  }
0x18: {  	s0 =	sld [smem:$0x3F9E];
	_ =	swait.ge [sflag:s4], $0x0  }
0x19: {  	s7 =	sld [smem:$0x3F9F]  }
0x1a: {  	s8 =	sadd.s32 $0xFFFFE003, lr  }
0x1b: {  	s9 =	sadd.s32 $0xFFFFFEF7, lr;
	s5 =	simm.s32 $0xFFFFFFFF;
	p2 =	slt.u32 s8, $0xFFFFF086  }
0x1c: {  	p1 =	slt.u32 s9, $0xF7A;
	s5 =	simm.s32 @!p2 $0x0  }
0x1d: {  	s5 =	simm.s32 @p1 $0x1;
	p0 =	seq.s32 s7, s2  }
0x1e: {  	s7 =	smul.u32 @!p0 $0xF7A, s2;
	p2 =	seq.s32 @!p0 s5, $0x0  }
0x1f: {  	s9 =	smul.u32 $0xF7A, s1;
	s8 =	simm.s32 @!p0 $0x1BF5;
	p2 =	por !p2, p0  }
0x20: {  	[sflag:s8] =	ssyncset.s32 @!p0 $0xFFFFF086;
	s6 =	sadd.s32 @!p0 s3, s7;
	s7 =	simm.s32 @!p0 $0x108  }
0x21: {  	s3 =	sadd.s32 s3, s9;
	s6 =	sadd.s32 @!p0 $0x88, s6;
	s7 =	simm.s32 @p2 $0x1082  }
0x22: {  	[simem:s7], [sflag:s8] =	dma.local @!p0 [hbm:s6], $0xF7A  }
0x23: {  	s9 =	sor.u32 $0xD0000000, s2;
	s6 =	simm.s32 $0x108;
	_ =	swait.ge @!p0 [sflag:s8], $0x0  }
0x24: {  	s3 =	sadd.s32 $0x88, s3;
	s6 =	simm.s32 @!p1 $0x1082;
	[sflag:s4] =	ssyncset.s32 $0xFFFFF086  }
0x25: {  	[simem:s6], [sflag:s4] =	dma.local [hbm:s3], $0xF7A  }
0x26: {  	[smem:$0x3F9F] =	sst s1;
	(tag) =	ssettag s2;
	_ =	strace s9  }
0x27: {  	s1 =	sld [smem:$0x3FAF]  }
0x28: {  	s2 =	sld [smem:$0x3FB0]  }
0x29: {  	s4 =	sld [smem:$0x3FB2]  }
0x2a: {  	p0 =	seq.s32 s5, $0x0;
	s5 =	sld [smem:$0x3FB3]  }
0x2b: {  	s6 =	sld [smem:$0x3FB4]  }
0x2c: {  	s7 =	sld [smem:$0x3FB5]  }
0x2d: {  	s3 =	simm.s32 $0x108;
	s8 =	sld [smem:$0x3FB6]  }
0x2e: {  	s3 =	simm.s32 @!p0 $0x1082;
	s9 =	sld [smem:$0x3FB7]  }
0x2f: {  	lr =	sadd.s32 s0, s3;
	s0 =	sld [smem:$0x3FAE]  }
0x30: {  	s3 =	sld [smem:$0x3FB1]  }
0x31: {  	[smem:$0x3FBA] =	sst s10  }
0x32: {  	s10 =	sld [smem:$0x3FB8];
	_ =	sdelay $0x3  }
0x33: {  	p0 =	seq.s32 s10, $0x1;
	s10 =	sld [smem:$0x3FBA];
	_ =	sdelay $0x3  }
0x34: {  	[smem:$0x3FBA] =	sst s10  }
0x35: {  	s10 =	sld [smem:$0x3FB9];
	_ =	sdelay $0x3  }
0x36: {  	p1 =	seq.s32 s10, $0x1;
	s10 =	sld [smem:$0x3FBA];
	_ =	sdelay $0x3  }
0x37: {  	[smem:$0x3FBA] =	sst s10  }
0x38: {  	s10 =	sld [smem:$0x3FBB]  }
0x39: {  	_ = 	snop;
	(pc) =	sbr.ind lr, $3  }
0x3a: {  	_ = 	snop  }
0x3b: {  	_ = 	snop  }
0x3c: {  	p2 =	seq.s32 s10, $0x1;
	s10 =	sld [smem:$0x3FBA]  }
0x3d: {  	_ =	shalt  }
0x3e: {  	_ =	shalt  }
0x3f: {  	_ =	shalt  }
0x40: {  	_ =	shalt  }
0x41: {  	_ =	shalt  }
0x42: {  	_ =	shalt  }
0x43: {  	_ =	shalt  }
0x44: {  	_ =	shalt  }
0x45: {  	_ =	shalt  }
0x46: {  	_ =	shalt  }
0x47: {  	_ =	shalt  }
0x48: {  	_ =	shalt  }
0x49: {  	_ =	shalt  }
0x4a: {  	_ =	shalt  }
0x4b: {  	_ =	shalt  }
0x4c: {  	_ =	shalt  }
0x4d: {  	_ =	shalt  }
0x4e: {  	_ =	shalt  }
0x4f: {  	_ =	shalt  }
0x50: {  	_ =	shalt  }
0x51: {  	_ =	shalt  }
0x52: {  	_ =	shalt  }
0x53: {  	_ =	shalt  }
0x54: {  	_ =	shalt  }
0x55: {  	_ =	shalt  }
0x56: {  	_ =	shalt  }
0x57: {  	_ =	shalt  }
0x58: {  	_ =	shalt  }
0x59: {  	_ =	shalt  }
0x5a: {  	_ =	shalt  }
0x5b: {  	_ =	shalt  }
0x5c: {  	_ =	shalt  }
0x5d: {  	_ =	shalt  }
0x5e: {  	_ =	shalt  }
0x5f: {  	_ =	shalt  }
0x60: {  	_ =	shalt  }
0x61: {  	_ =	shalt  }
0x62: {  	_ =	shalt  }
0x63: {  	_ =	shalt  }
0x64: {  	_ =	shalt  }
0x65: {  	_ =	shalt  }
0x66: {  	_ =	shalt  }
0x67: {  	_ =	shalt  }
0x68: {  	_ =	shalt  }
0x69: {  	_ =	shalt  }
0x6a: {  	_ =	shalt  }
0x6b: {  	_ =	shalt  }
0x6c: {  	_ =	shalt  }
0x6d: {  	_ =	shalt  }
0x6e: {  	_ =	shalt  }
0x6f: {  	_ =	shalt  }
0x70: {  	_ =	shalt  }
0x71: {  	_ =	shalt  }
0x72: {  	_ =	shalt  }
0x73: {  	_ =	shalt  }
0x74: {  	_ =	shalt  }
0x75: {  	_ =	shalt  }
0x76: {  	_ =	shalt  }
0x77: {  	_ =	shalt  }
0x78: {  	_ =	shalt  }
0x79: {  	_ =	shalt  }
0x7a: {  	_ =	shalt  }
0x7b: {  	_ =	shalt  }
0x7c: {  	_ =	shalt  }
0x7d: {  	_ =	shalt  }
0x7e: {  	_ =	shalt  }
0x7f: {  	_ =	shalt  }
0x80: {  	_ =	shalt  }
0x81: {  	_ =	shalt  }
0x82: {  	_ =	shalt  }
0x83: {  	_ =	shalt  }
0x84: {  	_ =	shalt  }
0x85: {  	_ =	shalt  }
0x86: {  	_ =	shalt  }
0x87: {  	_ =	shalt  }
.Lfunc_end0:
.L_simem_size_0:
called_computation_lowered:
.L_overlay_start_0:
0x88: {  	s2 =	sld [smem:$0x3FD9]  }
0x89: {  	s3 =	sld [smem:$0x3FFE];
	_ =	sdelay $0x1  }
0x8a: {  	s1 =	srdreg.scid  }
0x8b: {  	s0 =	sand.u32 $0x1, s1  }
0x8c: {  	s17 =	sshll.u32 s0, $0xA;
	s2 =	sadd.s32 s3, s2  }
0x8d: {  	s2 =	sadd.s32 s2, s17  }
0x8e: {  	[smem:$0x3FC6] =	sst s2  }
0x8f: {  	_ = 	snop  }
0x90: {  	s2 =	sld [smem:$0x3FD0];
	(tm) =	ssettm $0x1  }
0x91: {  	s18 =	sld [smem:$0x3FFB];
	_ =	sdelay $0x3  }
0x92: {  	_ =	strace s18  }
0x93: {  	s3 =	sld [smem:$0x3FFC];
	_ =	sdelay $0x3  }
0x94: {  	_ =	strace s3  }
0x95: {  	s3 =	sld [smem:$0x3FFD];
	_ =	sdelay $0x3  }
0x96: {  	_ =	strace s3  }
0x97: {  	_ =	strace $0x8FFFFFFF  }
0x98: {  	s19 =	sld [smem:$0x3FDB];
	_ =	sdelay $0x1  }
0x99: {  	s4 =	simm.s32 $_scs_section_size  }
0x9a: {  	s5 =	simm.s32 $_size__tile_overlayer_lowered;
	s6 =	simm.s32 $_tile_overlayer_lowered  }
0x9b: {  	s22 =	simm.s32 $0x1BFF;
	s21 =	sshll.u32 s6, $0x1;
	s3 =	sadd.s32 s4, s19  }
0x9c: {  	s7 =	simm.s32 $0x0;
	s20 =	sshll.u32 s5, $0x1;
	s5 =	sadd.s32 s21, s3  }
0x9d: {  	[timem:s7], [sflag:s22] =	dma.local [hbm:s5], s20  }
0x9e: {  	_ =	swait.ge [sflag:s22], s20  }
0x9f: {  	s4 =	ssub.s32 $0x0, s20;
	[sflag:s22] =	ssyncset.done $0x0  }
0xa0: {  	[sflag:s22] =	ssyncadd.s32 s4;
	_ =	sdelay $0x1  }
0xa1: {  	s23 =	simm.s32 $0x1B8B  }
0xa2: {  	_ =	swait.ge [sflag:s23], $0x1  }
0xa3: {  	[sflag:s23] =	ssyncset.done $0x0  }
0xa4: {  	s25 =	simm.s32 $0x1B8E;
	s24 =	sld [smem:$0x3FFE];
	[sflag:s23] =	ssyncadd.s32 $0xFFFFFFFF  }
0xa5: {  	s26 =	simm.s32 $execute0_lowered;
	[smem:$0x3FD2] =	sst s25  }
0xa6: {  	s5 =	sshll.u32 s26, $0x1;
	_ =	strace $0x80000046;
	[dreg:$0x1] =	wrdreg $0xFFFFFFFF  }
0xa7: {  	s28 =	simm.s32 $_size_execute0_lowered;
	s3 =	sadd.s32 s3, s5;
	[dreg:$0x0] =	wrdreg $0x0  }
0xa8: {  	s5 =	sshll.u32 s28, $0x1;
	[dreg:$0x2] =	wrdreg s3  }
0xa9: {  	[dreg:$0x3] =	wrdreg s5  }
0xaa: {  	[dreg:$0x4] =	wrdreg $0xC0  }
0xab: {  	_ =	task [dreg:s7], $0x5FFFF  }
0xac: {  	[dreg:$0x1] =	wrdreg $0xFFFFFFFF  }
0xad: {  	[dreg:$0x0] =	wrdreg $0x60  }
0xae: {  	[dreg:$0x2] =	wrdreg s24  }
0xaf: {  	[dreg:$0x3] =	wrdreg s2  }
0xb0: {  	[dreg:$0x4] =	wrdreg $0x9  }
0xb1: {  	_ =	task.clear_ibuf [dreg:s7], $0x5FFFF;
	_ =	strace $0x90000046  }
0xb2: {  	s29 =	simm.s32 $0x9;
	_ =	strace $0x80000048  }
0xb3: {  	_ =	swait.ge [sflag:s29], $0x1  }
0xb4: {  	[sflag:s29] =	ssyncadd.s32 $0xFFFFFFFF  }
0xb5: {  	_ =	strace $0x90000048  }
0xb6: {  	_ =	sfence  }
0xb7: {  	s30 =	sld [smem:$0x0];
	_ =	sdelay $0x2  }
0xb8: {  	s31 =	sshll.u32 s1, $0xD;
	s1 =	sshrl.u32 s1, $0x2  }
0xb9: {  	s3 =	sand.u32 $0x4000, s31;
	s1 =	sadd.s32 s1, s30  }
0xba: {  	s0 =	sor.u32 s3, s0;
	s1 =	sshll.u32 s1, $0x11  }
0xbb: {  	s0 =	sor.u32 s1, s0  }
0xbc: {  	s0 =	sadd.s32 $0x8F2B, s0  }
0xbd: {  	[sflag:s0] =	ssyncadd.remote.s32 $0x1  }
0xbe: {  	_ =	sfence.sel $0xFFFF  }
0xbf: {  	[dreg:$0x0] =	wrdreg $0xFFFFFFFF;
	(pc) =	sbr.abs _section_cstart, $3  }
0xc0: {  	[dreg:$0x1] =	wrdreg $0xFFFFFFFF  }
0xc1: {  	_ =	task.clear_ibuf [dreg:s7], $0x2FFFF;
	_ =	strace $0x9FFFFFFF  }
0xc2: {  	(tm) =	ssettm $0x7FFFFFFF  }
0xc3: {  	_ =	shalt  }
tec
execute0_lowered:
.L_overlay_start_1:
0x0: {  	(tag) =	ssettag $0x1  }
0x1: {  	s0 =	rddreg [dreg:$0x0]  }
0x2: {  	s2 =	rddreg [dreg:$0x1]  }
0x3: {  	s1 =	srdreg.scid;
	s4 =	stileid.u32;
	s3 =	simm.s32 $0x0  }
0x4: {  	s13 =	simm.s32 $0x9;
	s22 =	simm.s32 $0x1;
	s23 =	simm.s32 $0x6800  }
0x5: {  	s20 =	simm.s32 $0xD800;
	s21 =	simm.s32 $0xE000;
	s12 =	simm.s32 $0xE800  }
0x6: {  	s24 =	simm.s32 $0x10000;
	s14 =	simm.s32 $0x10800;
	s25 =	simm.s32 $0x11000  }
0x7: {  	s26 =	simm.s32 $0x11800;
	s28 =	simm.s32 $0x12000;
	s29 =	simm.s32 $0x4  }
0x8: {  	s17 =	simm.s32 $0x0;
	s1 =	sand.u32 $0x1, s1;
	s4 =	sshll.u32 s4, $0x1  }
0x9: {  	[smem:$0x7FF] =	sst s3;
	s8 =	sadd.s32 $0x2400, s0;
	s6 =	sadd.s32 $0x400, s0  }
0xa: {  	s9 =	sadd.s32 $0x600, s0;
	s10 =	sadd.s32 $0x700, s0;
	s4 =	sor.u32 s1, s4  }
0xb: {  	_ =	strace $0x80000047;
	s1 =	ssub.s32 $0x2, s1;
	s7 =	smul.u32 $0x19000, s4  }
0xc: {  	[dreg:$0x4] =	wrdreg s8;
	s5 =	sshrl.u32 s1, $0x1;
	s11 =	smul.u32 $0x6400000, s4  }
.Ltmp0:
0xd: {  	s15 =	sshll.u32 s4, $0x1;
	s4 =	simm.s32 $0xF000;
	(pc) =	sbr.rel .LBB2_1-.Ltmp0, $4  }
0xe: {  	s1 =	ssub.s32 s1, s5;
	[dreg:$0x3] =	wrdreg s7;
	s30 =	sshrl.u32 s7, $0x3  }
0xf: {  	v3 =	vlaneseq.u32;
	s31 =	smax.u32 s1, $0x1;
	s1 =	simm.s32 $0xA800;
	s7 =	simm.s32 $0x3  }
0x10: {  	vm0 =	vmmov $0xffff;
	v1 =	vand.u32 $0x7, v3;
	v2 =	vshrl.u32 v3, $0x3;
	s5 =	sadd.s32 s8, s30;
	s8 =	sadd.s32 $0x500, s0;
	[dreg:$0x6] =	wrdreg s31  }
0x11: {  	v3 =	vor.u32 $0x8, v3;
	v2 =	vmul.u32 $0x8, v2;
	v0 =	vmov s15;
	s0 =	simm.s32 $0x2;
	[dreg:$0x5] =	wrdreg s5;
	s5 =	simm.s32 $0xF800  }
.LBB2_9:
0x12: {  	s15 =	simm.s32 $0x5  }
0x13: {  	_ =	swait.ge [sflag:s15], $0x4000  }
0x14: {  	[sflag:s15] =	ssyncset.done $0x0  }
0x15: {  	s19 =	simm.s32 $0x6;
	[sflag:s15] =	ssyncadd.s32 $0xFFFFC000  }
0x16: {  	_ =	swait.ge [sflag:s19], $0x4000  }
0x17: {  	[sflag:s19] =	ssyncset.done $0x0  }
0x18: {  	s30 =	simm.s32 $0x7;
	[sflag:s19] =	ssyncadd.s32 $0xFFFFC000  }
0x19: {  	_ =	swait.ge [sflag:s30], $0x4000  }
0x1a: {  	[sflag:s30] =	ssyncset.done $0x0  }
0x1b: {  	s16 =	simm.s32 $0x8;
	[sflag:s30] =	ssyncadd.s32 $0xFFFFC000  }
0x1c: {  	_ =	swait.ge [sflag:s16], $0x4000  }
0x1d: {  	s17 =	rddreg [dreg:$0x7]  }
0x1e: {  	s31 =	rddreg [dreg:$0x6];
	s17 =	sadd.s32 $0x1, s17  }
0x1f: {  	p0 =	sne.s32 s17, s31  }
.Ltmp1:
0x20: {  	_ = 	snop;
	(pc) =	sbr.rel @!p0 .LBB2_10-.Ltmp1, $3  }
0x21: {  	_ =	sdelay $0x1  }
0x22: {  	[sflag:s16] =	ssyncset.done $0x0  }
0x23: {  	[sflag:s16] =	ssyncadd.s32 $0xFFFFC000  }
.LBB2_1:
0x24: {  	[dreg:$0x7] =	wrdreg s17  }
0x25: {  	s15 =	rddreg [dreg:$0x5]  }
0x26: {  	[tilespmem:s3], [sflag:$0x9] =	stream.linear.gather [hbm4b:s15+s3], $0x2800, $0x38;
	[tilespmem:$0x12800] =	vst v63  }
0x27: {  	_ =	swait.ge [sflag:s13], $0x2800  }
0x28: {  	[sflag:s13] =	ssyncset.done $0x0  }
0x29: {  	s16 =	simm.s32 $0x40;
	s15 =	simm.s32 $0x0;
	[sflag:s13] =	ssyncadd.s32 $0xFFFFD800  }
.LBB2_2:
0x2a: {  	p0 =	sne.s32 s16, $0x9FC0;
	v4 =	vld [tilespmem:s15+$0x0];
	_ =	sdelay $0x1  }
.Ltmp2:
0x2b: {  	(pc) =	sbr.rel @p0 .LBB2_2-.Ltmp2, $3  }
0x2c: {  	_ =	sdelay $0x1  }
0x2d: {  	v4 =	vadd.s32 v0, v4  }
0x2e: {  	[tilespmem:s15+$0x0] =	vst v4;
	s15 =	sshra.s32 s16, $0x2;
	s16 =	sadd.s32 $0x40, s16  }
0x2f: {  	v4 =	vld [tilespmem:s15+$0x0];
	_ =	sdelay $0x4  }
0x30: {  	v4 =	vadd.s32 v0, v4  }
0x31: {  	[tilespmem:s15+$0x0] =	vst v4  }
0x32: {  	v4 =	vld [tilespmem:$0x0];
	_ =	sdelay $0x4  }
0x33: {  	v5 =	vshll.u32 v4, $0x3  }
0x34: {  	v4 =	vand.u32 $0x7, v4;
	v5 =	vand.u32 $0xFFFFFFC0, v5  }
0x35: {  	v4 =	vor.u32 v4, v5  }
0x36: {  	v5 =	vperm.xlane v4, v1;
	_ =	sdelay $0x1  }
0x37: {  	v5 =	vadd.s32 v2, v5;
	_ =	sdelay $0x3  }
0x38: {  	s30 =	simm.s32 $0x0;
	s18 =	simm.s32 $0x2800  }
0x39: {  	[tilespmem:s18], [sflag:$0x1] =	stream.indirect_vreg.gather [hbm4b:s6+s30], $0x80, v5, vm0, $0xb8;
	[tilespmem:$0x12800] =	vst v63  }
0x3a: {  	s19 =	simm.s32 $0x3000;
	v4 =	vperm.xlane v4, v3  }
0x3b: {  	[tilespmem:s19], [sflag:$0x1] =	stream.indirect_vreg.gather [hbm4b:s8+s30], $0x80, v5, vm0, $0xb8;
	[tilespmem:$0x12800] =	vst v63  }
0x3c: {  	s31 =	simm.s32 $0x3800;
	v4 =	vadd.s32 v2, v4  }
0x3d: {  	[tilespmem:s31], [sflag:$0x1] =	stream.indirect_vreg.gather [hbm4b:s9+s30], $0x80, v5, vm0, $0xb8;
	[tilespmem:$0x12800] =	vst v63  }
0x3e: {  	s16 =	simm.s32 $0x4000  }
0x3f: {  	[tilespmem:s16], [sflag:$0x1] =	stream.indirect_vreg.gather [hbm4b:s10+s30], $0x80, v5, vm0, $0xb8;
	[tilespmem:$0x12800] =	vst v63  }
0x40: {  	s17 =	simm.s32 $0x4800  }
0x41: {  	[tilespmem:s17], [sflag:$0x1] =	stream.indirect_vreg.gather [hbm4b:s6+s30], $0x80, v4, vm0, $0xb8;
	[tilespmem:$0x12800] =	vst v63  }
0x42: {  	s18 =	simm.s32 $0x5000  }
0x43: {  	[tilespmem:s18], [sflag:$0x1] =	stream.indirect_vreg.gather [hbm4b:s8+s30], $0x80, v4, vm0, $0xb8;
	[tilespmem:$0x12800] =	vst v63  }
.Ltmp3:
0x44: {  	_ = 	snop;
	(pc) =	sbr.rel .LBB2_4-.Ltmp3, $4  }
0x45: {  	s19 =	simm.s32 $0x5800  }
0x46: {  	[tilespmem:s19], [sflag:$0x1] =	stream.indirect_vreg.gather [hbm4b:s9+s30], $0x80, v4, vm0, $0xb8;
	[tilespmem:$0x12800] =	vst v63  }
0x47: {  	s31 =	simm.s32 $0x6000  }
0x48: {  	[tilespmem:s31], [sflag:$0x1] =	stream.indirect_vreg.gather [hbm4b:s10+s30], $0x80, v4, vm0, $0xb8;
	[tilespmem:$0x12800] =	vst v63  }
.LBB2_8:
0x49: {  	p0 =	seq.s32 s30, $0x63F  }
0x4a: {  	s15 =	sshll.u32 @!p0 s15, $0x4  }
0x4b: {  	s16 =	smulhi.u32 @!p0 $0x66666667, s15;
	_ =	sdelay $0x1  }
0x4c: {  	s17 =	simm.s32 @!p0 $0x5;
	s16 =	sshrl.u32 @!p0 s16, $0xC  }
0x4d: {  	_ =	swait.ge @!p0 [sflag:s17], $0x4000;
	s16 =	smul.u32 @!p0 $0x2800, s16  }
0x4e: {  	[sflag:s17] =	ssyncset.done @!p0 $0x0  }
0x4f: {  	[sflag:s17] =	ssyncadd.s32 @!p0 $0xFFFFC000;
	s15 =	ssub.s32 @!p0 s15, s16  }
0x50: {  	v4 =	vld @!p0 [tilespmem:s15+$0x0];
	_ =	sdelay $0x4  }
0x51: {  	v5 =	vshll.u32 @!p0 v4, $0x3  }
0x52: {  	v6 =	vlaneseq.u32 @!p0;
	v4 =	vand.u32 @!p0 $0x7, v4;
	v5 =	vand.u32 @!p0 $0xFFFFFFC0, v5  }
0x53: {  	v7 =	vshrl.u32 @!p0 v6, $0x3;
	v4 =	vor.u32 @!p0 v4, v5;
	v5 =	vand.u32 @!p0 $0x7, v6  }
0x54: {  	v7 =	vmul.u32 @!p0 $0x8, v7;
	v5 =	vperm.xlane @!p0 v4, v5;
	_ =	sdelay $0x1  }
0x55: {  	v5 =	vadd.s32 @!p0 v7, v5;
	_ =	sdelay $0x3  }
0x56: {  	vm1 =	vmmov @!p0 $0xffff;
	s16 =	simm.s32 @!p0 $0x2800;
	s15 =	simm.s32 @!p0 $0x0  }
0x57: {  	v6 =	vor.u32 @!p0 $0x8, v6;
	[tilespmem:s16], [sflag:$0x1] =	stream.indirect_vreg.gather @!p0 [hbm4b:s6+s15], $0x80, v5, vm1, $0xb8;
	[tilespmem:$0x12800] =	vst v63  }
0x58: {  	v4 =	vperm.xlane @!p0 v4, v6;
	s16 =	simm.s32 @!p0 $0x3000  }
0x59: {  	[tilespmem:s16], [sflag:$0x1] =	stream.indirect_vreg.gather @!p0 [hbm4b:s8+s15], $0x80, v5, vm1, $0xb8;
	[tilespmem:$0x12800] =	vst v63  }
0x5a: {  	v4 =	vadd.s32 @!p0 v7, v4;
	s16 =	simm.s32 @!p0 $0x3800  }
0x5b: {  	[tilespmem:s16], [sflag:$0x1] =	stream.indirect_vreg.gather @!p0 [hbm4b:s9+s15], $0x80, v5, vm1, $0xb8;
	[tilespmem:$0x12800] =	vst v63  }
0x5c: {  	s16 =	simm.s32 @!p0 $0x4000  }
0x5d: {  	[tilespmem:s16], [sflag:$0x1] =	stream.indirect_vreg.gather @!p0 [hbm4b:s10+s15], $0x80, v5, vm1, $0xb8;
	[tilespmem:$0x12800] =	vst v63  }
0x5e: {  	s16 =	simm.s32 @!p0 $0x4800  }
0x5f: {  	[tilespmem:s16], [sflag:$0x1] =	stream.indirect_vreg.gather @!p0 [hbm4b:s6+s15], $0x80, v4, vm1, $0xb8;
	[tilespmem:$0x12800] =	vst v63  }
0x60: {  	s16 =	simm.s32 @!p0 $0x5000  }
0x61: {  	[tilespmem:s16], [sflag:$0x1] =	stream.indirect_vreg.gather @!p0 [hbm4b:s8+s15], $0x80, v4, vm1, $0xb8;
	[tilespmem:$0x12800] =	vst v63  }
0x62: {  	s16 =	simm.s32 @!p0 $0x5800  }
0x63: {  	[tilespmem:s16], [sflag:$0x1] =	stream.indirect_vreg.gather @!p0 [hbm4b:s9+s15], $0x80, v4, vm1, $0xb8;
	[tilespmem:$0x12800] =	vst v63  }
0x64: {  	s30 =	sadd.s32 $0x1, s30;
	s16 =	simm.s32 @!p0 $0x6000  }
0x65: {  	[tilespmem:s16], [sflag:$0x1] =	stream.indirect_vreg.gather @!p0 [hbm4b:s10+s15], $0x80, v4, vm1, $0xb8;
	[tilespmem:$0x12800] =	vst v63  }
0x66: {  	p0 =	sne.s32 s30, $0x640  }
.Ltmp4:
0x67: {  	s31 =	sshll.u32 s31, $0xE;
	(pc) =	sbr.rel @!p0 .LBB2_9-.Ltmp4, $4  }
0x68: {  	s15 =	sadd.s32 s11, s31  }
0x69: {  	s15 =	sshrl.u32 s15, $0x3  }
0x6a: {  	s15 =	sadd.s32 s2, s15  }
0x6b: {  	[hbm4b:s15+s3] =	stream.linear.scatter [tilespmem:s12], [sflag:$0x8], $0x4000, $0x38;
	[tilespmem:$0x12800] =	vst v63  }
.LBB2_4:
0x6c: {  	s15 =	sshll.u32 s30, $0x2  }
0x6d: {  	s31 =	sor.u32 $0x1, s15  }
0x6e: {  	s16 =	sshll.u32 s31, $0x4  }
0x6f: {  	_ =	swait.ge [sflag:s22], $0x4000;
	s17 =	smulhi.u32 $0x66666667, s16  }
0x70: {  	p0 =	seq.s32 s30, $0x0;
	[sflag:s22] =	ssyncset.done $0x0  }
0x71: {  	s18 =	simm.s32 @!p0 $0x6;
	[sflag:s22] =	ssyncadd.s32 $0xFFFFC000;
	s17 =	sshrl.u32 s17, $0xC  }
0x72: {  	_ =	swait.ge @!p0 [sflag:s18], $0x4000;
	s17 =	smul.u32 $0x2800, s17  }
0x73: {  	[sflag:s18] =	ssyncset.done @!p0 $0x0  }
0x74: {  	[sflag:s18] =	ssyncadd.s32 @!p0 $0xFFFFC000;
	s16 =	ssub.s32 s16, s17  }
0x75: {  	v4 =	vld [tilespmem:s16+$0x0];
	_ =	sdelay $0x4  }
0x76: {  	v5 =	vshll.u32 v4, $0x3  }
0x77: {  	v4 =	vand.u32 $0x7, v4;
	v5 =	vand.u32 $0xFFFFFFC0, v5  }
0x78: {  	v4 =	vor.u32 v4, v5  }
0x79: {  	v5 =	vperm.xlane v4, v1;
	_ =	sdelay $0x1  }
0x7a: {  	v5 =	vadd.s32 v2, v5;
	_ =	sdelay $0x4  }
0x7b: {  	[tilespmem:s23], [sflag:$0x2] =	stream.indirect_vreg.gather [hbm4b:s6+s3], $0x80, v5, vm0, $0xb8;
	[tilespmem:$0x12800] =	vst v63  }
0x7c: {  	s17 =	simm.s32 $0x7000;
	v4 =	vperm.xlane v4, v3  }
0x7d: {  	[tilespmem:s17], [sflag:$0x2] =	stream.indirect_vreg.gather [hbm4b:s8+s3], $0x80, v5, vm0, $0xb8;
	[tilespmem:$0x12800] =	vst v63  }
0x7e: {  	s18 =	simm.s32 $0x7800;
	v4 =	vadd.s32 v2, v4  }
0x7f: {  	[tilespmem:s18], [sflag:$0x2] =	stream.indirect_vreg.gather [hbm4b:s9+s3], $0x80, v5, vm0, $0xb8;
	[tilespmem:$0x12800] =	vst v63  }
0x80: {  	s19 =	simm.s32 $0x8000  }
0x81: {  	[tilespmem:s19], [sflag:$0x2] =	stream.indirect_vreg.gather [hbm4b:s10+s3], $0x80, v5, vm0, $0xb8;
	[tilespmem:$0x12800] =	vst v63  }
0x82: {  	s17 =	simm.s32 $0x8800  }
0x83: {  	[tilespmem:s17], [sflag:$0x2] =	stream.indirect_vreg.gather [hbm4b:s6+s3], $0x80, v4, vm0, $0xb8;
	[tilespmem:$0x12800] =	vst v63  }
0x84: {  	s18 =	simm.s32 $0x9000  }
0x85: {  	[tilespmem:s18], [sflag:$0x2] =	stream.indirect_vreg.gather [hbm4b:s8+s3], $0x80, v4, vm0, $0xb8;
	[tilespmem:$0x12800] =	vst v63  }
0x86: {  	s18 =	sshll.u32 s30, $0x10  }
0x87: {  	s19 =	simm.s32 $0x9800;
	s16 =	sadd.s32 s11, s18  }
0x88: {  	[tilespmem:s19], [sflag:$0x2] =	stream.indirect_vreg.gather [hbm4b:s9+s3], $0x80, v4, vm0, $0xb8;
	[tilespmem:$0x12800] =	vst v63  }
0x89: {  	s17 =	simm.s32 $0xA000;
	s16 =	sshrl.u32 s16, $0x3  }
0x8a: {  	[tilespmem:s17], [sflag:$0x2] =	stream.indirect_vreg.gather [hbm4b:s10+s3], $0x80, v4, vm0, $0xb8;
	[tilespmem:$0x12800] =	vst v63  }
0x8b: {  	s19 =	simm.s32 $0x2800;
	s16 =	sadd.s32 s2, s16  }
0x8c: {  	[hbm4b:s16+s3] =	stream.linear.scatter [tilespmem:s19], [sflag:$0x5], $0x4000, $0x38;
	[tilespmem:$0x12800] =	vst v63  }
0x8d: {  	s16 =	sor.u32 $0x2, s15  }
0x8e: {  	s17 =	sshll.u32 s16, $0x4  }
0x8f: {  	_ =	swait.ge [sflag:s0], $0x4000;
	s18 =	smulhi.u32 $0x66666667, s17  }
0x90: {  	[sflag:s0] =	ssyncset.done $0x0  }
0x91: {  	s19 =	simm.s32 @!p0 $0x7;
	[sflag:s0] =	ssyncadd.s32 $0xFFFFC000;
	s18 =	sshrl.u32 s18, $0xC  }
0x92: {  	_ =	swait.ge @!p0 [sflag:s19], $0x4000;
	s18 =	smul.u32 $0x2800, s18  }
0x93: {  	[sflag:s19] =	ssyncset.done @!p0 $0x0  }
0x94: {  	[sflag:s19] =	ssyncadd.s32 @!p0 $0xFFFFC000;
	s17 =	ssub.s32 s17, s18  }
0x95: {  	v4 =	vld [tilespmem:s17+$0x0];
	_ =	sdelay $0x4  }
0x96: {  	v5 =	vshll.u32 v4, $0x3  }
0x97: {  	v4 =	vand.u32 $0x7, v4;
	v5 =	vand.u32 $0xFFFFFFC0, v5  }
0x98: {  	v4 =	vor.u32 v4, v5  }
0x99: {  	v5 =	vperm.xlane v4, v1;
	_ =	sdelay $0x1  }
0x9a: {  	v5 =	vadd.s32 v2, v5;
	_ =	sdelay $0x4  }
0x9b: {  	[tilespmem:s1], [sflag:$0x3] =	stream.indirect_vreg.gather [hbm4b:s6+s3], $0x80, v5, vm0, $0xb8;
	[tilespmem:$0x12800] =	vst v63  }
0x9c: {  	s18 =	simm.s32 $0xB000;
	v4 =	vperm.xlane v4, v3  }
0x9d: {  	[tilespmem:s18], [sflag:$0x3] =	stream.indirect_vreg.gather [hbm4b:s8+s3], $0x80, v5, vm0, $0xb8;
	[tilespmem:$0x12800] =	vst v63  }
0x9e: {  	s19 =	simm.s32 $0xB800;
	v4 =	vadd.s32 v2, v4  }
0x9f: {  	[tilespmem:s19], [sflag:$0x3] =	stream.indirect_vreg.gather [hbm4b:s9+s3], $0x80, v5, vm0, $0xb8;
	[tilespmem:$0x12800] =	vst v63  }
0xa0: {  	s18 =	simm.s32 $0xC000  }
0xa1: {  	[tilespmem:s18], [sflag:$0x3] =	stream.indirect_vreg.gather [hbm4b:s10+s3], $0x80, v5, vm0, $0xb8;
	[tilespmem:$0x12800] =	vst v63  }
0xa2: {  	s19 =	simm.s32 $0xC800  }
0xa3: {  	[tilespmem:s19], [sflag:$0x3] =	stream.indirect_vreg.gather [hbm4b:s6+s3], $0x80, v4, vm0, $0xb8;
	[tilespmem:$0x12800] =	vst v63  }
0xa4: {  	s18 =	simm.s32 $0xD000;
	s19 =	sshll.u32 s31, $0xE  }
0xa5: {  	[tilespmem:s18], [sflag:$0x3] =	stream.indirect_vreg.gather [hbm4b:s8+s3], $0x80, v4, vm0, $0xb8;
	[tilespmem:$0x12800] =	vst v63  }
0xa6: {  	s17 =	sadd.s32 s11, s19  }
0xa7: {  	[tilespmem:s20], [sflag:$0x3] =	stream.indirect_vreg.gather [hbm4b:s9+s3], $0x80, v4, vm0, $0xb8;
	[tilespmem:$0x12800] =	vst v63  }
0xa8: {  	s17 =	sshrl.u32 s17, $0x3  }
0xa9: {  	[tilespmem:s21], [sflag:$0x3] =	stream.indirect_vreg.gather [hbm4b:s10+s3], $0x80, v4, vm0, $0xb8;
	[tilespmem:$0x12800] =	vst v63  }
0xaa: {  	s31 =	sor.u32 $0x3, s15;
	s17 =	sadd.s32 s2, s17  }
0xab: {  	[hbm4b:s17+s3] =	stream.linear.scatter [tilespmem:s23], [sflag:$0x6], $0x4000, $0x38;
	[tilespmem:$0x12800] =	vst v63  }
0xac: {  	s17 =	sshll.u32 s31, $0x4  }
0xad: {  	_ =	swait.ge [sflag:s7], $0x4000;
	s18 =	smulhi.u32 $0x66666667, s17  }
0xae: {  	[sflag:s7] =	ssyncset.done $0x0  }
0xaf: {  	s19 =	simm.s32 @!p0 $0x8;
	[sflag:s7] =	ssyncadd.s32 $0xFFFFC000;
	s18 =	sshrl.u32 s18, $0xC  }
0xb0: {  	_ =	swait.ge @!p0 [sflag:s19], $0x4000;
	s18 =	smul.u32 $0x2800, s18  }
0xb1: {  	[sflag:s19] =	ssyncset.done @!p0 $0x0  }
0xb2: {  	[sflag:s19] =	ssyncadd.s32 @!p0 $0xFFFFC000;
	s17 =	ssub.s32 s17, s18  }
0xb3: {  	v4 =	vld [tilespmem:s17+$0x0];
	_ =	sdelay $0x4  }
0xb4: {  	v5 =	vshll.u32 v4, $0x3  }
0xb5: {  	v4 =	vand.u32 $0x7, v4;
	v5 =	vand.u32 $0xFFFFFFC0, v5  }
0xb6: {  	v4 =	vor.u32 v4, v5  }
0xb7: {  	v5 =	vperm.xlane v4, v1;
	_ =	sdelay $0x1  }
0xb8: {  	v5 =	vadd.s32 v2, v5;
	_ =	sdelay $0x4  }
0xb9: {  	[tilespmem:s12], [sflag:$0x4] =	stream.indirect_vreg.gather [hbm4b:s6+s3], $0x80, v5, vm0, $0xb8;
	[tilespmem:$0x12800] =	vst v63  }
0xba: {  	v4 =	vperm.xlane v4, v3  }
0xbb: {  	[tilespmem:s4], [sflag:$0x4] =	stream.indirect_vreg.gather [hbm4b:s8+s3], $0x80, v5, vm0, $0xb8;
	[tilespmem:$0x12800] =	vst v63  }
0xbc: {  	v4 =	vadd.s32 v2, v4  }
0xbd: {  	[tilespmem:s5], [sflag:$0x4] =	stream.indirect_vreg.gather [hbm4b:s9+s3], $0x80, v5, vm0, $0xb8;
	[tilespmem:$0x12800] =	vst v63  }
0xbe: {  	_ = 	snop  }
0xbf: {  	[tilespmem:s24], [sflag:$0x4] =	stream.indirect_vreg.gather [hbm4b:s10+s3], $0x80, v5, vm0, $0xb8;
	[tilespmem:$0x12800] =	vst v63  }
0xc0: {  	_ = 	snop  }
0xc1: {  	[tilespmem:s14], [sflag:$0x4] =	stream.indirect_vreg.gather [hbm4b:s6+s3], $0x80, v4, vm0, $0xb8;
	[tilespmem:$0x12800] =	vst v63  }
0xc2: {  	s16 =	sshll.u32 s16, $0xE  }
0xc3: {  	[tilespmem:s25], [sflag:$0x4] =	stream.indirect_vreg.gather [hbm4b:s8+s3], $0x80, v4, vm0, $0xb8;
	[tilespmem:$0x12800] =	vst v63  }
0xc4: {  	s16 =	sadd.s32 s11, s16;
	s15 =	sadd.s32 $0x4, s15  }
0xc5: {  	[tilespmem:s26], [sflag:$0x4] =	stream.indirect_vreg.gather [hbm4b:s9+s3], $0x80, v4, vm0, $0xb8;
	[tilespmem:$0x12800] =	vst v63  }
0xc6: {  	s16 =	sshrl.u32 s16, $0x3;
	s18 =	smul.u32 $0xFFFFCCCD, s15  }
0xc7: {  	[tilespmem:s28], [sflag:$0x4] =	stream.indirect_vreg.gather [hbm4b:s10+s3], $0x80, v4, vm0, $0xb8;
	[tilespmem:$0x12800] =	vst v63  }
0xc8: {  	s16 =	sadd.s32 s2, s16;
	s19 =	sand.u32 $0xFF80, s18  }
0xc9: {  	[hbm4b:s16+s3] =	stream.linear.scatter [tilespmem:s1], [sflag:$0x7], $0x4000, $0x38;
	[tilespmem:$0x12800] =	vst v63  }
0xca: {  	s17 =	sshll.u32 s18, $0x9;
	s16 =	sshrl.u32 s19, $0x7  }
0xcb: {  	s16 =	sor.u32 s17, s16  }
0xcc: {  	s16 =	sand.u32 $0xFFFF, s16  }
0xcd: {  	p0 =	sgt.u32 s16, $0x66  }
.Ltmp5:
0xce: {  	_ = 	snop;
	(pc) =	sbr.rel @p0 .LBB2_8-.Ltmp5, $4  }
0xcf: {  	_ = 	snop  }
0xd0: {  	_ =	swait.ge [sflag:s29], $0x4000  }
0xd1: {  	[sflag:s29] =	ssyncset.done $0x0  }
0xd2: {  	[sflag:s29] =	ssyncadd.s32 $0xFFFFC000  }
0xd3: {  	s16 =	sshll.u32 s15, $0x4;
	s17 =	rddreg [dreg:$0x3]  }
0xd4: {  	s16 =	sadd.s32 s17, s16  }
0xd5: {  	s18 =	rddreg [dreg:$0x4];
	s16 =	sshrl.u32 s16, $0x3  }
0xd6: {  	s19 =	simm.s32 $0x0;
	s16 =	sadd.s32 s18, s16  }
0xd7: {  	[tilespmem:s19], [sflag:$0x9] =	stream.linear.gather [hbm4b:s16+s19], $0x2800, $0x38;
	[tilespmem:$0x12800] =	vst v63  }
0xd8: {  	_ =	swait.ge [sflag:s13], $0x2800  }
0xd9: {  	[sflag:s13] =	ssyncset.done $0x0  }
0xda: {  	s17 =	simm.s32 $0x40;
	s16 =	simm.s32 $0x0;
	[sflag:s13] =	ssyncadd.s32 $0xFFFFD800  }
.LBB2_6:
0xdb: {  	p0 =	sne.s32 s17, $0x9FC0;
	v4 =	vld [tilespmem:s16+$0x0];
	_ =	sdelay $0x1  }
.Ltmp6:
0xdc: {  	(pc) =	sbr.rel @p0 .LBB2_6-.Ltmp6, $3  }
0xdd: {  	_ =	sdelay $0x1  }
0xde: {  	v4 =	vadd.s32 v0, v4  }
0xdf: {  	[tilespmem:s16+$0x0] =	vst v4;
	s16 =	sshra.s32 s17, $0x2;
	s17 =	sadd.s32 $0x40, s17  }
0xe0: {  	v4 =	vld [tilespmem:s16+$0x0];
	_ =	sdelay $0x1  }
.Ltmp7:
0xe1: {  	_ = 	snop;
	(pc) =	sbr.rel .LBB2_8-.Ltmp7, $3  }
0xe2: {  	_ =	sdelay $0x1  }
0xe3: {  	v4 =	vadd.s32 v0, v4  }
0xe4: {  	[tilespmem:s16+$0x0] =	vst v4  }
.LBB2_10:
0xe5: {  	_ =	sfence.sel $0x180000  }
0xe6: {  	[bflag:$0x0] =	sbarrier.arrive $0xFFFF  }
0xe7: {  	_ =	strace $0x90000047  }
0xe8: {  	s0 =	stileid.u32;
	[bflag:$0x2] =	sbarrier.arrive $0xFFFF  }
0xe9: {  	p0 =	sne.s32 s0, $0x0;
	s0 =	rddreg [dreg:$0x2]  }
0xea: {  	s0 =	sadd.s32 @!p0 $0x100000, s0  }
0xeb: {  	[sflag:s0] =	ssyncadd.tile.s32 @!p0 $0x1;
	_ =	shalt  }
.Lfunc_end2:
_tile_overlayer_lowered:
.L_overlay_start_2:
0xec: {  	(tag) =	ssettag $0x2  }
0xed: {  	s0 =	rddreg [dreg:$0x0];
	s2 =	stileid.u32  }
0xee: {  	s1 =	rddreg [dreg:$0x1];
	p0 =	sne.s32 s2, $0x0  }
0xef: {  	s3 =	rddreg [dreg:$0x2];
	[bflag:$0x3] =	sbarrier.arrive $0xFFFF;
	s2 =	simm.s32 @!p0 $0x1C09  }
0xf0: {  	[timem:s3], [sflag:s2] =	dma.local @!p0 [hbm:s0], s1  }
0xf1: {  	s0 =	simm.s32 @!p0 $0x9  }
0xf2: {  	_ =	swait.ge @!p0 [sflag:s0], s1  }
0xf3: {  	s1 =	ssub.s32 @!p0 $0x0, s1;
	[sflag:s0] =	ssyncset.done @!p0 $0x0  }
0xf4: {  	[sflag:s0] =	ssyncadd.s32 @!p0 s1  }
0xf5: {  	[bflag:$0x3] =	sbarrier.arrive $0xFFFF  }
0xf6: {  	_ =	shalt  }

</sc_bundles>
